<compile_context>
chip_gen: v7x
topology: tpu7x:2x2x1
jax: 0.10.2.dev20260603
libtpu: 0.0.44.dev20260713+nightly
codegen_flags: <defaults>
</compile_context>

<pallas_src>
import functools

import jax
import jax.numpy as jnp
from jax.experimental import pallas as pl
from jax.experimental.pallas import tpu as pltpu
from jax.experimental.pallas import tpu_sc as plsc

_D = 768
_E = 8
_F = 768
_T = 2048
_BM = 256
_NH = 2
_TH = _T // _NH
_GH = _TH * 2 // _BM + _E
_PH = _GH * _BM


def _meta_body(x_ref, gw_ref, ltri_ref, pos1_ref, pos2_ref, w1_ref, w2_ref,
               gid_ref, mt_ref, nt_ref):
    th = x_ref.shape[0]
    x = x_ref[...]
    logits = jnp.dot(x, gw_ref[...], preferred_element_type=jnp.float32)
    e_iota = jax.lax.broadcasted_iota(jnp.int32, (th, _E), 1)
    idx1 = jnp.argmax(logits, axis=1)
    one1 = e_iota == idx1[:, None]
    m1 = jnp.max(logits, axis=1, keepdims=True)
    neg = jnp.finfo(jnp.float32).min
    l2 = jnp.where(one1, neg, logits)
    idx2 = jnp.argmax(l2, axis=1)
    one2 = e_iota == idx2[:, None]
    m2 = jnp.max(l2, axis=1, keepdims=True)
    w1 = 1.0 / (1.0 + jnp.exp(m2 - m1))
    w1_ref[...] = w1
    w2_ref[...] = 1.0 - w1

    sel = (one1 | one2).astype(jnp.float32)
    cnt = jnp.sum(sel, axis=0)
    tiles = jnp.floor((cnt + (_BM - 1)) / _BM)
    asz = tiles * _BM
    je = jax.lax.broadcasted_iota(jnp.int32, (_E, _E), 0)
    ee = jax.lax.broadcasted_iota(jnp.int32, (_E, _E), 1)
    lower = (je < ee).astype(jnp.float32)
    off = jnp.sum(lower * asz[:, None], axis=0)
    tprefix = jnp.sum(lower * tiles[:, None], axis=0)
    total = jnp.sum(tiles)

    csum = jnp.dot(ltri_ref[...], sel.astype(jnp.bfloat16).astype(jnp.float32),
                   preferred_element_type=jnp.float32)
    pos = off[None, :] + csum - 1.0
    pos1 = jnp.sum(jnp.where(one1, pos, 0.0), axis=1)
    pos2 = jnp.sum(jnp.where(one2, pos, 0.0), axis=1)
    pos1_ref[...] = pos1.astype(jnp.int32)
    pos2_ref[...] = pos2.astype(jnp.int32)

    gg = jax.lax.broadcasted_iota(jnp.int32, (_GH, _E), 0).astype(jnp.float32)
    gc = jnp.minimum(gg, total - 1.0)
    te = tprefix[None, :]
    act = (gc >= te) & (gc < te + tiles[None, :])
    actf = act.astype(jnp.float32)
    ef = jax.lax.broadcasted_iota(jnp.int32, (_GH, _E), 1).astype(jnp.float32)
    gid = jnp.sum(actf * ef, axis=1)
    mt = jnp.sum(actf * (off[None, :] / _BM + gc - te), axis=1)
    gid_ref[...] = gid.astype(jnp.int32)
    mt_ref[...] = mt.astype(jnp.int32)
    nt_ref[...] = jnp.full((8,), total, jnp.float32).astype(jnp.int32)


def _meta(x, gate_w):
    th = x.shape[0]
    t_iota = jax.lax.broadcasted_iota(jnp.int32, (th, th), 0)
    j_iota = jax.lax.broadcasted_iota(jnp.int32, (th, th), 1)
    ltri = (j_iota <= t_iota).astype(jnp.bfloat16)
    return pl.pallas_call(
        _meta_body,
        out_shape=[
            jax.ShapeDtypeStruct((th,), jnp.int32),
            jax.ShapeDtypeStruct((th,), jnp.int32),
            jax.ShapeDtypeStruct((th, 1), jnp.float32),
            jax.ShapeDtypeStruct((th, 1), jnp.float32),
            jax.ShapeDtypeStruct((_GH,), jnp.int32),
            jax.ShapeDtypeStruct((_GH,), jnp.int32),
            jax.ShapeDtypeStruct((8,), jnp.int32),
        ],
    )(x, gate_w, ltri)


def _sc_dispatch(x, pos1, pos2):
    info = plsc.get_sparse_core_info()
    nc, ns = info.num_cores, info.num_subcores
    nw = nc * ns
    th = x.shape[0]
    per = th // nw
    mesh = plsc.VectorSubcoreMesh(core_axis_name="c", subcore_axis_name="s")

    @functools.partial(
        pl.kernel, mesh=mesh,
        out_type=jax.ShapeDtypeStruct((_PH, _D), jnp.float32),
        scratch_types=[pltpu.VMEM((per,), jnp.int32),
                       pltpu.VMEM((per,), jnp.int32),
                       pltpu.VMEM((per, _D), jnp.float32),
                       pltpu.SemaphoreType.DMA],
    )
    def k(x_hbm, p1_hbm, p2_hbm, xs_hbm, idx1_v, idx2_v, row_v, sem):
        wid = jax.lax.axis_index("s") * nc + jax.lax.axis_index("c")
        base = wid * per
        pltpu.sync_copy(p1_hbm.at[pl.ds(base, per)], idx1_v)
        pltpu.sync_copy(p2_hbm.at[pl.ds(base, per)], idx2_v)
        pltpu.sync_copy(x_hbm.at[pl.ds(base, per)], row_v)
        d1 = pltpu.async_copy(row_v, xs_hbm.at[idx1_v], sem)
        d2 = pltpu.async_copy(row_v, xs_hbm.at[idx2_v], sem)
        d1.wait()
        d2.wait()

    return k(x, pos1, pos2)


def _sc_gather(y_sorted, pos1, pos2):
    info = plsc.get_sparse_core_info()
    nc, ns = info.num_cores, info.num_subcores
    nw = nc * ns
    th = pos1.shape[0]
    per = th // nw
    mesh = plsc.VectorSubcoreMesh(core_axis_name="c", subcore_axis_name="s")

    @functools.partial(
        pl.kernel, mesh=mesh,
        out_type=[jax.ShapeDtypeStruct((th, _D), jnp.float32),
                  jax.ShapeDtypeStruct((th, _D), jnp.float32)],
        scratch_types=[pltpu.VMEM((per,), jnp.int32),
                       pltpu.VMEM((per,), jnp.int32),
                       pltpu.VMEM((per, _D), jnp.float32),
                       pltpu.VMEM((per, _D), jnp.float32),
                       pltpu.SemaphoreType.DMA],
    )
    def k(ys_hbm, p1_hbm, p2_hbm, y1_hbm, y2_hbm,
          idx1_v, idx2_v, row1_v, row2_v, sem):
        wid = jax.lax.axis_index("s") * nc + jax.lax.axis_index("c")
        base = wid * per
        pltpu.sync_copy(p1_hbm.at[pl.ds(base, per)], idx1_v)
        pltpu.sync_copy(p2_hbm.at[pl.ds(base, per)], idx2_v)
        d1 = pltpu.async_copy(ys_hbm.at[idx1_v], row1_v, sem)
        d2 = pltpu.async_copy(ys_hbm.at[idx2_v], row2_v, sem)
        d1.wait()
        pltpu.sync_copy(row1_v, y1_hbm.at[pl.ds(base, per)])
        d2.wait()
        pltpu.sync_copy(row2_v, y2_hbm.at[pl.ds(base, per)])

    return k(y_sorted, pos1, pos2)


def _gmm_body(gid_ref, mt_ref, nt_ref, xs_ref, gu_ref, dn_ref, ys_ref):
    g = pl.program_id(0)

    @pl.when(g < nt_ref[0])
    def _():
        xb = xs_ref[...].astype(jnp.bfloat16)
        gu = gu_ref[0].astype(jnp.bfloat16)
        h = jnp.dot(xb, gu, preferred_element_type=jnp.float32)
        gate = h[:, :_F]
        up = h[:, _F:]
        actv = (gate * jax.lax.logistic(gate) * up).astype(jnp.bfloat16)
        dn = dn_ref[0].astype(jnp.bfloat16)
        ys_ref[...] = jnp.dot(actv, dn, preferred_element_type=jnp.float32)


def _gmm(x_sorted, gids, mtiles, nt, gate_up_proj, down_proj):
    grid_spec = pltpu.PrefetchScalarGridSpec(
        num_scalar_prefetch=3,
        grid=(_GH,),
        in_specs=[
            pl.BlockSpec((_BM, _D), lambda g, gid, mt, nt: (mt[g], 0)),
            pl.BlockSpec((1, _D, 2 * _F), lambda g, gid, mt, nt: (gid[g], 0, 0)),
            pl.BlockSpec((1, _F, _D), lambda g, gid, mt, nt: (gid[g], 0, 0)),
        ],
        out_specs=pl.BlockSpec((_BM, _D), lambda g, gid, mt, nt: (mt[g], 0)),
    )
    return pl.pallas_call(
        _gmm_body,
        grid_spec=grid_spec,
        out_shape=jax.ShapeDtypeStruct((_PH, _D), jnp.float32),
    )(gids, mtiles, nt, x_sorted, gate_up_proj, down_proj)


def _combine_body(y1_ref, y2_ref, w1_ref, w2_ref, out_ref):
    out_ref[...] = y1_ref[...] * w1_ref[...] + y2_ref[...] * w2_ref[...]


def _combine(y1, y2, w1, w2):
    th = y1.shape[0]
    return pl.pallas_call(
        _combine_body,
        grid=(2,),
        in_specs=[
            pl.BlockSpec((th // 2, _D), lambda i: (i, 0)),
            pl.BlockSpec((th // 2, _D), lambda i: (i, 0)),
            pl.BlockSpec((th // 2, 1), lambda i: (i, 0)),
            pl.BlockSpec((th // 2, 1), lambda i: (i, 0)),
        ],
        out_specs=pl.BlockSpec((th // 2, _D), lambda i: (i, 0)),
        out_shape=jax.ShapeDtypeStruct((th, _D), jnp.float32),
    )(y1, y2, w1, w2)


@jax.jit
def kernel(hidden_states, gate_w, gate_up_proj, down_proj):
    batch, seq, d = hidden_states.shape
    x = hidden_states.reshape(_T, d)

    metas = [_meta(x[h * _TH:(h + 1) * _TH], gate_w) for h in range(_NH)]
    xs = [_sc_dispatch(x[h * _TH:(h + 1) * _TH], m[0], m[1])
          for h, m in enumerate(metas)]
    ys = [_gmm(xs[h], m[4], m[5], m[6], gate_up_proj, down_proj)
          for h, m in enumerate(metas)]
    gat = [_sc_gather(ys[h], m[0], m[1]) for h, m in enumerate(metas)]
    outs = [_combine(gat[h][0], gat[h][1], m[2], m[3])
            for h, m in enumerate(metas)]

    return jnp.concatenate(outs, axis=0).reshape(batch, seq, d)

# --- scband reference (transcript-rebuilt; emitter-appended) ---
"""Pipeline reference for scband-qwen-moe-wrapper-skip-32461362823834 (READ-ONLY COPY).

The authoritative reference and input builder live on the scoring server;
editing this copy changes nothing except your own understanding.
"""

import jax, jax.numpy as jnp
import numpy as np

D_MODEL = 768
N_EXPERTS = 8
TOP_K = 2
D_FF = 768


def setup_inputs(seed: int = 0) -> dict:
    key = jax.random.key(seed)
    k1, k2, k3, k4 = jax.random.split(key, 4)
    hidden_states = jax.random.normal(k1, (1, 2048, D_MODEL), dtype=jnp.float32)
    # gate: Linear(hidden, E, bias=False) -> stored as [D, E] for x @ W
    gate_w = jax.random.normal(k2, (D_MODEL, N_EXPERTS), dtype=jnp.float32) * 0.02
    # fused experts weights (Qwen3VLMoeTextExperts): gate_up_proj [E, D, 2F], down_proj [E, F, D]
    gate_up_proj = jax.random.normal(k3, (N_EXPERTS, D_MODEL, 2 * D_FF), dtype=jnp.float32) * 0.02
    down_proj = jax.random.normal(k4, (N_EXPERTS, D_FF, D_MODEL), dtype=jnp.float32) * 0.02
    return {"hidden_states": hidden_states, "gate_w": gate_w, "gate_up_proj": gate_up_proj, "down_proj": down_proj}


def reference(hidden_states, gate_w, gate_up_proj, down_proj):
    # QwenMoeWrapperSkip.forward with default buffers: _has_modality=False,
    # so the modality-skip branches are no-ops; plain top-k softmax routing.
    batch_size, seq_length, hidden_dim = hidden_states.shape
    bs = batch_size * seq_length
    x = hidden_states.reshape(bs, hidden_dim)
    router_logits = x @ gate_w  # [T, E]
    routing_weights = jax.nn.softmax(router_logits, axis=-1)
    routing_weights, selected_experts = jax.lax.top_k(routing_weights, TOP_K)
    routing_weights = routing_weights / jnp.sum(routing_weights, axis=-1, keepdims=True)
    # scatter normalized top-k weights into a dense [T, E] routing matrix
    rows = jnp.arange(bs)[:, None]
    dense_router = jnp.zeros((bs, N_EXPERTS), dtype=routing_weights.dtype).at[rows, selected_experts].set(routing_weights)
    # fused experts (dense formulation; mathematically identical since non-selected
    # experts have weight exactly 0): SwiGLU per expert
    gate_up = jnp.einsum('td,edf->tef', x, gate_up_proj)  # [T, E, 2F]
    gate, up = jnp.split(gate_up, 2, axis=-1)
    act = jax.nn.silu(gate) * up  # [T, E, F]
    expert_out = jnp.einsum('tef,efd->ted', act, down_proj)  # [T, E, D]
    out = jnp.einsum('ted,te->td', expert_out, dense_router)
    return out.reshape(batch_size, seq_length, hidden_dim)

if __name__ == "__main__":
    import jax
    _d = setup_inputs()
    print(jax.jit(kernel)(*tuple(_d.values())))

</pallas_src>

<mosaic_0001>
#map = affine_map<(d0, d1) -> (0, 0)>
#map1 = affine_map<(d0, d1) -> (0)>
module attributes {stable_mosaic.version = 14 : i64} {
  func.func @k(%arg0: i32, %arg1: i32, %arg2: memref<4096x768xf32, #tpu.memory_space<hbm>>, %arg3: memref<1024xi32, #tpu.memory_space<hbm>>, %arg4: memref<1024xi32, #tpu.memory_space<hbm>>, %arg5: memref<1024x768xf32, #tpu.memory_space<hbm>>, %arg6: memref<1024x768xf32, #tpu.memory_space<hbm>>, %arg7: memref<32xi32, #tpu.memory_space<vmem>>, %arg8: memref<32xi32, #tpu.memory_space<vmem>>, %arg9: memref<32x768xf32, #tpu.memory_space<vmem>>, %arg10: memref<32x768xf32, #tpu.memory_space<vmem>>, %arg11: memref<!tpu.dma_semaphore, #tpu.memory_space<semaphore_mem>>) attributes {dimension_semantics = [#tpu.dimension_semantics<core_parallel>, #tpu.dimension_semantics<subcore_parallel>], iteration_bounds = array<i64: 2, 16>, scalar_prefetch = 0 : i64, scratch_operands = 5 : i64, tpu.core_type = #tpu.core_type<sc_vector_subcore>, window_params = [{transform_indices = #map}, {transform_indices = #map1}, {transform_indices = #map1}, {transform_indices = #map}, {transform_indices = #map}]} {
    %mul3A = arith.constant 2 : i32
    %mul3A_0 = arith.muli %arg1, %mul3A : i32
    %add3A = arith.addi %mul3A_0, %arg0 : i32
    %mul3A_1 = arith.constant 32 : i32
    %mul3A_2 = arith.muli %add3A, %mul3A_1 : i32
    "tpu.region"() ({
      %run_scoped3A = tpu.sem_alloc : memref<!tpu.dma_semaphore, #tpu.memory_space<semaphore_mem>>
      %dma_start3A_13 = tpu.memref_slice %arg3[%mul3A_2] : memref<1024xi32, #tpu.memory_space<hbm>> -> memref<32xi32, #tpu.memory_space<hbm>>
      %dma_start3A_14 = tpu.memref_slice %arg3[%mul3A_2] : memref<1024xi32, #tpu.memory_space<hbm>> -> memref<32xi32, #tpu.memory_space<hbm>>
      tpu.enqueue_dma source(%dma_start3A_14 : memref<32xi32, #tpu.memory_space<hbm>>) target(%arg7 : memref<32xi32, #tpu.memory_space<vmem>>) target_semaphore(%run_scoped3A : memref<!tpu.dma_semaphore, #tpu.memory_space<semaphore_mem>>)
      %dma_wait3A_15 = tpu.memref_slice %arg3[%mul3A_2] : memref<1024xi32, #tpu.memory_space<hbm>> -> memref<32xi32, #tpu.memory_space<hbm>>
      %dma_wait3A_16 = tpu.memref_slice %arg3[%mul3A_2] : memref<1024xi32, #tpu.memory_space<hbm>> -> memref<32xi32, #tpu.memory_space<hbm>>
      tpu.wait_dma2 semaphore(%run_scoped3A : memref<!tpu.dma_semaphore, #tpu.memory_space<semaphore_mem>>) src(%dma_wait3A_16 : memref<32xi32, #tpu.memory_space<hbm>>) dst(%arg7 : memref<32xi32, #tpu.memory_space<vmem>>)
      tpu.yield
    }) : () -> ()
    "tpu.region"() ({
      %run_scoped3A = tpu.sem_alloc : memref<!tpu.dma_semaphore, #tpu.memory_space<semaphore_mem>>
      %dma_start3A_13 = tpu.memref_slice %arg4[%mul3A_2] : memref<1024xi32, #tpu.memory_space<hbm>> -> memref<32xi32, #tpu.memory_space<hbm>>
      %dma_start3A_14 = tpu.memref_slice %arg4[%mul3A_2] : memref<1024xi32, #tpu.memory_space<hbm>> -> memref<32xi32, #tpu.memory_space<hbm>>
      tpu.enqueue_dma source(%dma_start3A_14 : memref<32xi32, #tpu.memory_space<hbm>>) target(%arg8 : memref<32xi32, #tpu.memory_space<vmem>>) target_semaphore(%run_scoped3A : memref<!tpu.dma_semaphore, #tpu.memory_space<semaphore_mem>>)
      %dma_wait3A_15 = tpu.memref_slice %arg4[%mul3A_2] : memref<1024xi32, #tpu.memory_space<hbm>> -> memref<32xi32, #tpu.memory_space<hbm>>
      %dma_wait3A_16 = tpu.memref_slice %arg4[%mul3A_2] : memref<1024xi32, #tpu.memory_space<hbm>> -> memref<32xi32, #tpu.memory_space<hbm>>
      tpu.wait_dma2 semaphore(%run_scoped3A : memref<!tpu.dma_semaphore, #tpu.memory_space<semaphore_mem>>) src(%dma_wait3A_16 : memref<32xi32, #tpu.memory_space<hbm>>) dst(%arg8 : memref<32xi32, #tpu.memory_space<vmem>>)
      tpu.yield
    }) : () -> ()
    %dma_start3A = arith.constant 0 : i32
    %dma_start3A_3 = arith.constant 0 : i32
    %dma_start3A_4 = tpu.memref_slice %arg2[%dma_start3A, %dma_start3A_3] : memref<4096x768xf32, #tpu.memory_space<hbm>> -> memref<4096x768xf32, #tpu.memory_space<hbm>>
    tpu.enqueue_indirect_dma source(%dma_start3A_4 : memref<4096x768xf32, #tpu.memory_space<hbm>>) target(%arg9 : memref<32x768xf32, #tpu.memory_space<vmem>>) offsets(%arg7 : memref<32xi32, #tpu.memory_space<vmem>>) semaphore(%arg11 : memref<!tpu.dma_semaphore, #tpu.memory_space<semaphore_mem>>)
    %dma_start3A_5 = arith.constant 0 : i32
    %dma_start3A_6 = arith.constant 0 : i32
    %dma_start3A_7 = tpu.memref_slice %arg2[%dma_start3A_5, %dma_start3A_6] : memref<4096x768xf32, #tpu.memory_space<hbm>> -> memref<4096x768xf32, #tpu.memory_space<hbm>>
    tpu.enqueue_indirect_dma source(%dma_start3A_7 : memref<4096x768xf32, #tpu.memory_space<hbm>>) target(%arg10 : memref<32x768xf32, #tpu.memory_space<vmem>>) offsets(%arg8 : memref<32xi32, #tpu.memory_space<vmem>>) semaphore(%arg11 : memref<!tpu.dma_semaphore, #tpu.memory_space<semaphore_mem>>)
    %dma_wait3A = arith.constant 0 : i32
    %dma_wait3A_8 = arith.constant 0 : i32
    %dma_wait3A_9 = tpu.memref_slice %arg2[%dma_wait3A, %dma_wait3A_8] : memref<4096x768xf32, #tpu.memory_space<hbm>> -> memref<4096x768xf32, #tpu.memory_space<hbm>>
    tpu.wait_indirect_dma semaphore(%arg11 : memref<!tpu.dma_semaphore, #tpu.memory_space<semaphore_mem>>) src(%dma_wait3A_9 : memref<4096x768xf32, #tpu.memory_space<hbm>>) dst(%arg9 : memref<32x768xf32, #tpu.memory_space<vmem>>)
    "tpu.region"() ({
      %run_scoped3A = tpu.sem_alloc : memref<!tpu.dma_semaphore, #tpu.memory_space<semaphore_mem>>
      %dma_start3A_13 = arith.constant 0 : i32
      %dma_start3A_14 = tpu.memref_slice %arg5[%mul3A_2, %dma_start3A_13] : memref<1024x768xf32, #tpu.memory_space<hbm>> -> memref<32x768xf32, #tpu.memory_space<hbm>>
      %dma_start3A_15 = arith.constant 0 : i32
      %dma_start3A_16 = tpu.memref_slice %arg5[%mul3A_2, %dma_start3A_15] : memref<1024x768xf32, #tpu.memory_space<hbm>> -> memref<32x768xf32, #tpu.memory_space<hbm>>
      tpu.enqueue_dma source(%arg9 : memref<32x768xf32, #tpu.memory_space<vmem>>) target(%dma_start3A_16 : memref<32x768xf32, #tpu.memory_space<hbm>>) target_semaphore(%run_scoped3A : memref<!tpu.dma_semaphore, #tpu.memory_space<semaphore_mem>>)
      %dma_wait3A_17 = arith.constant 0 : i32
      %dma_wait3A_18 = tpu.memref_slice %arg5[%mul3A_2, %dma_wait3A_17] : memref<1024x768xf32, #tpu.memory_space<hbm>> -> memref<32x768xf32, #tpu.memory_space<hbm>>
      %dma_wait3A_19 = arith.constant 0 : i32
      %dma_wait3A_20 = tpu.memref_slice %arg5[%mul3A_2, %dma_wait3A_19] : memref<1024x768xf32, #tpu.memory_space<hbm>> -> memref<32x768xf32, #tpu.memory_space<hbm>>
      tpu.wait_dma2 semaphore(%run_scoped3A : memref<!tpu.dma_semaphore, #tpu.memory_space<semaphore_mem>>) src(%arg9 : memref<32x768xf32, #tpu.memory_space<vmem>>) dst(%dma_wait3A_20 : memref<32x768xf32, #tpu.memory_space<hbm>>)
      tpu.yield
    }) : () -> ()
    %dma_wait3A_10 = arith.constant 0 : i32
    %dma_wait3A_11 = arith.constant 0 : i32
    %dma_wait3A_12 = tpu.memref_slice %arg2[%dma_wait3A_10, %dma_wait3A_11] : memref<4096x768xf32, #tpu.memory_space<hbm>> -> memref<4096x768xf32, #tpu.memory_space<hbm>>
    tpu.wait_indirect_dma semaphore(%arg11 : memref<!tpu.dma_semaphore, #tpu.memory_space<semaphore_mem>>) src(%dma_wait3A_12 : memref<4096x768xf32, #tpu.memory_space<hbm>>) dst(%arg10 : memref<32x768xf32, #tpu.memory_space<vmem>>)
    "tpu.region"() ({
      %run_scoped3A = tpu.sem_alloc : memref<!tpu.dma_semaphore, #tpu.memory_space<semaphore_mem>>
      %dma_start3A_13 = arith.constant 0 : i32
      %dma_start3A_14 = tpu.memref_slice %arg6[%mul3A_2, %dma_start3A_13] : memref<1024x768xf32, #tpu.memory_space<hbm>> -> memref<32x768xf32, #tpu.memory_space<hbm>>
      %dma_start3A_15 = arith.constant 0 : i32
      %dma_start3A_16 = tpu.memref_slice %arg6[%mul3A_2, %dma_start3A_15] : memref<1024x768xf32, #tpu.memory_space<hbm>> -> memref<32x768xf32, #tpu.memory_space<hbm>>
      tpu.enqueue_dma source(%arg10 : memref<32x768xf32, #tpu.memory_space<vmem>>) target(%dma_start3A_16 : memref<32x768xf32, #tpu.memory_space<hbm>>) target_semaphore(%run_scoped3A : memref<!tpu.dma_semaphore, #tpu.memory_space<semaphore_mem>>)
      %dma_wait3A_17 = arith.constant 0 : i32
      %dma_wait3A_18 = tpu.memref_slice %arg6[%mul3A_2, %dma_wait3A_17] : memref<1024x768xf32, #tpu.memory_space<hbm>> -> memref<32x768xf32, #tpu.memory_space<hbm>>
      %dma_wait3A_19 = arith.constant 0 : i32
      %dma_wait3A_20 = tpu.memref_slice %arg6[%mul3A_2, %dma_wait3A_19] : memref<1024x768xf32, #tpu.memory_space<hbm>> -> memref<32x768xf32, #tpu.memory_space<hbm>>
      tpu.wait_dma2 semaphore(%run_scoped3A : memref<!tpu.dma_semaphore, #tpu.memory_space<semaphore_mem>>) src(%arg10 : memref<32x768xf32, #tpu.memory_space<vmem>>) dst(%dma_wait3A_20 : memref<32x768xf32, #tpu.memory_space<hbm>>)
      tpu.yield
    }) : () -> ()
    return
  }
}

#map = affine_map<(d0, d1) -> (0, 0)>
#map1 = affine_map<(d0, d1) -> (0)>
module attributes {stable_mosaic.version = 14 : i64} {
  func.func @k(%arg0: i32, %arg1: i32, %arg2: memref<1024x768xf32, #tpu.memory_space<hbm>>, %arg3: memref<1024xi32, #tpu.memory_space<hbm>>, %arg4: memref<1024xi32, #tpu.memory_space<hbm>>, %arg5: memref<4096x768xf32, #tpu.memory_space<hbm>>, %arg6: memref<32xi32, #tpu.memory_space<vmem>>, %arg7: memref<32xi32, #tpu.memory_space<vmem>>, %arg8: memref<32x768xf32, #tpu.memory_space<vmem>>, %arg9: memref<!tpu.dma_semaphore, #tpu.memory_space<semaphore_mem>>) attributes {dimension_semantics = [#tpu.dimension_semantics<core_parallel>, #tpu.dimension_semantics<subcore_parallel>], iteration_bounds = array<i64: 2, 16>, scalar_prefetch = 0 : i64, scratch_operands = 4 : i64, tpu.core_type = #tpu.core_type<sc_vector_subcore>, window_params = [{transform_indices = #map}, {transform_indices = #map1}, {transform_indices = #map1}, {transform_indices = #map}]} {
    %mul3A = arith.constant 2 : i32
    %mul3A_0 = arith.muli %arg1, %mul3A : i32
    %add3A = arith.addi %mul3A_0, %arg0 : i32
    %mul3A_1 = arith.constant 32 : i32
    %mul3A_2 = arith.muli %add3A, %mul3A_1 : i32
    "tpu.region"() ({
      %run_scoped3A = tpu.sem_alloc : memref<!tpu.dma_semaphore, #tpu.memory_space<semaphore_mem>>
      %dma_start3A_13 = tpu.memref_slice %arg3[%mul3A_2] : memref<1024xi32, #tpu.memory_space<hbm>> -> memref<32xi32, #tpu.memory_space<hbm>>
      %dma_start3A_14 = tpu.memref_slice %arg3[%mul3A_2] : memref<1024xi32, #tpu.memory_space<hbm>> -> memref<32xi32, #tpu.memory_space<hbm>>
      tpu.enqueue_dma source(%dma_start3A_14 : memref<32xi32, #tpu.memory_space<hbm>>) target(%arg6 : memref<32xi32, #tpu.memory_space<vmem>>) target_semaphore(%run_scoped3A : memref<!tpu.dma_semaphore, #tpu.memory_space<semaphore_mem>>)
      %dma_wait3A_15 = tpu.memref_slice %arg3[%mul3A_2] : memref<1024xi32, #tpu.memory_space<hbm>> -> memref<32xi32, #tpu.memory_space<hbm>>
      %dma_wait3A_16 = tpu.memref_slice %arg3[%mul3A_2] : memref<1024xi32, #tpu.memory_space<hbm>> -> memref<32xi32, #tpu.memory_space<hbm>>
      tpu.wait_dma2 semaphore(%run_scoped3A : memref<!tpu.dma_semaphore, #tpu.memory_space<semaphore_mem>>) src(%dma_wait3A_16 : memref<32xi32, #tpu.memory_space<hbm>>) dst(%arg6 : memref<32xi32, #tpu.memory_space<vmem>>)
      tpu.yield
    }) : () -> ()
    "tpu.region"() ({
      %run_scoped3A = tpu.sem_alloc : memref<!tpu.dma_semaphore, #tpu.memory_space<semaphore_mem>>
      %dma_start3A_13 = tpu.memref_slice %arg4[%mul3A_2] : memref<1024xi32, #tpu.memory_space<hbm>> -> memref<32xi32, #tpu.memory_space<hbm>>
      %dma_start3A_14 = tpu.memref_slice %arg4[%mul3A_2] : memref<1024xi32, #tpu.memory_space<hbm>> -> memref<32xi32, #tpu.memory_space<hbm>>
      tpu.enqueue_dma source(%dma_start3A_14 : memref<32xi32, #tpu.memory_space<hbm>>) target(%arg7 : memref<32xi32, #tpu.memory_space<vmem>>) target_semaphore(%run_scoped3A : memref<!tpu.dma_semaphore, #tpu.memory_space<semaphore_mem>>)
      %dma_wait3A_15 = tpu.memref_slice %arg4[%mul3A_2] : memref<1024xi32, #tpu.memory_space<hbm>> -> memref<32xi32, #tpu.memory_space<hbm>>
      %dma_wait3A_16 = tpu.memref_slice %arg4[%mul3A_2] : memref<1024xi32, #tpu.memory_space<hbm>> -> memref<32xi32, #tpu.memory_space<hbm>>
      tpu.wait_dma2 semaphore(%run_scoped3A : memref<!tpu.dma_semaphore, #tpu.memory_space<semaphore_mem>>) src(%dma_wait3A_16 : memref<32xi32, #tpu.memory_space<hbm>>) dst(%arg7 : memref<32xi32, #tpu.memory_space<vmem>>)
      tpu.yield
    }) : () -> ()
    "tpu.region"() ({
      %run_scoped3A = tpu.sem_alloc : memref<!tpu.dma_semaphore, #tpu.memory_space<semaphore_mem>>
      %dma_start3A_13 = arith.constant 0 : i32
      %dma_start3A_14 = tpu.memref_slice %arg2[%mul3A_2, %dma_start3A_13] : memref<1024x768xf32, #tpu.memory_space<hbm>> -> memref<32x768xf32, #tpu.memory_space<hbm>>
      %dma_start3A_15 = arith.constant 0 : i32
      %dma_start3A_16 = tpu.memref_slice %arg2[%mul3A_2, %dma_start3A_15] : memref<1024x768xf32, #tpu.memory_space<hbm>> -> memref<32x768xf32, #tpu.memory_space<hbm>>
      tpu.enqueue_dma source(%dma_start3A_16 : memref<32x768xf32, #tpu.memory_space<hbm>>) target(%arg8 : memref<32x768xf32, #tpu.memory_space<vmem>>) target_semaphore(%run_scoped3A : memref<!tpu.dma_semaphore, #tpu.memory_space<semaphore_mem>>)
      %dma_wait3A_17 = arith.constant 0 : i32
      %dma_wait3A_18 = tpu.memref_slice %arg2[%mul3A_2, %dma_wait3A_17] : memref<1024x768xf32, #tpu.memory_space<hbm>> -> memref<32x768xf32, #tpu.memory_space<hbm>>
      %dma_wait3A_19 = arith.constant 0 : i32
      %dma_wait3A_20 = tpu.memref_slice %arg2[%mul3A_2, %dma_wait3A_19] : memref<1024x768xf32, #tpu.memory_space<hbm>> -> memref<32x768xf32, #tpu.memory_space<hbm>>
      tpu.wait_dma2 semaphore(%run_scoped3A : memref<!tpu.dma_semaphore, #tpu.memory_space<semaphore_mem>>) src(%dma_wait3A_20 : memref<32x768xf32, #tpu.memory_space<hbm>>) dst(%arg8 : memref<32x768xf32, #tpu.memory_space<vmem>>)
      tpu.yield
    }) : () -> ()
    %dma_start3A = arith.constant 0 : i32
    %dma_start3A_3 = arith.constant 0 : i32
    %dma_start3A_4 = tpu.memref_slice %arg5[%dma_start3A, %dma_start3A_3] : memref<4096x768xf32, #tpu.memory_space<hbm>> -> memref<4096x768xf32, #tpu.memory_space<hbm>>
    tpu.enqueue_indirect_dma source(%arg8 : memref<32x768xf32, #tpu.memory_space<vmem>>) target(%dma_start3A_4 : memref<4096x768xf32, #tpu.memory_space<hbm>>) offsets(%arg6 : memref<32xi32, #tpu.memory_space<vmem>>) semaphore(%arg9 : memref<!tpu.dma_semaphore, #tpu.memory_space<semaphore_mem>>)
    %dma_start3A_5 = arith.constant 0 : i32
    %dma_start3A_6 = arith.constant 0 : i32
    %dma_start3A_7 = tpu.memref_slice %arg5[%dma_start3A_5, %dma_start3A_6] : memref<4096x768xf32, #tpu.memory_space<hbm>> -> memref<4096x768xf32, #tpu.memory_space<hbm>>
    tpu.enqueue_indirect_dma source(%arg8 : memref<32x768xf32, #tpu.memory_space<vmem>>) target(%dma_start3A_7 : memref<4096x768xf32, #tpu.memory_space<hbm>>) offsets(%arg7 : memref<32xi32, #tpu.memory_space<vmem>>) semaphore(%arg9 : memref<!tpu.dma_semaphore, #tpu.memory_space<semaphore_mem>>)
    %dma_wait3A = arith.constant 0 : i32
    %dma_wait3A_8 = arith.constant 0 : i32
    %dma_wait3A_9 = tpu.memref_slice %arg5[%dma_wait3A, %dma_wait3A_8] : memref<4096x768xf32, #tpu.memory_space<hbm>> -> memref<4096x768xf32, #tpu.memory_space<hbm>>
    tpu.wait_indirect_dma semaphore(%arg9 : memref<!tpu.dma_semaphore, #tpu.memory_space<semaphore_mem>>) src(%arg8 : memref<32x768xf32, #tpu.memory_space<vmem>>) dst(%dma_wait3A_9 : memref<4096x768xf32, #tpu.memory_space<hbm>>)
    %dma_wait3A_10 = arith.constant 0 : i32
    %dma_wait3A_11 = arith.constant 0 : i32
    %dma_wait3A_12 = tpu.memref_slice %arg5[%dma_wait3A_10, %dma_wait3A_11] : memref<4096x768xf32, #tpu.memory_space<hbm>> -> memref<4096x768xf32, #tpu.memory_space<hbm>>
    tpu.wait_indirect_dma semaphore(%arg9 : memref<!tpu.dma_semaphore, #tpu.memory_space<semaphore_mem>>) src(%arg8 : memref<32x768xf32, #tpu.memory_space<vmem>>) dst(%dma_wait3A_12 : memref<4096x768xf32, #tpu.memory_space<hbm>>)
    return
  }
}

#map = affine_map<(d0, d1) -> (0, 0)>
#map1 = affine_map<(d0, d1) -> (0)>
module attributes {stable_mosaic.version = 14 : i64} {
  func.func @k(%arg0: i32, %arg1: i32, %arg2: memref<1024x768xf32, #tpu.memory_space<hbm>>, %arg3: memref<1024xi32, #tpu.memory_space<hbm>>, %arg4: memref<1024xi32, #tpu.memory_space<hbm>>, %arg5: memref<4096x768xf32, #tpu.memory_space<hbm>>, %arg6: memref<32xi32, #tpu.memory_space<vmem>>, %arg7: memref<32xi32, #tpu.memory_space<vmem>>, %arg8: memref<32x768xf32, #tpu.memory_space<vmem>>, %arg9: memref<!tpu.dma_semaphore, #tpu.memory_space<semaphore_mem>>) attributes {dimension_semantics = [#tpu.dimension_semantics<core_parallel>, #tpu.dimension_semantics<subcore_parallel>], iteration_bounds = array<i64: 2, 16>, scalar_prefetch = 0 : i64, scratch_operands = 4 : i64, tpu.core_type = #tpu.core_type<sc_vector_subcore>, window_params = [{transform_indices = #map}, {transform_indices = #map1}, {transform_indices = #map1}, {transform_indices = #map}]} {
    %mul3A = arith.constant 2 : i32
    %mul3A_0 = arith.muli %arg1, %mul3A : i32
    %add3A = arith.addi %mul3A_0, %arg0 : i32
    %mul3A_1 = arith.constant 32 : i32
    %mul3A_2 = arith.muli %add3A, %mul3A_1 : i32
    "tpu.region"() ({
      %run_scoped3A = tpu.sem_alloc : memref<!tpu.dma_semaphore, #tpu.memory_space<semaphore_mem>>
      %dma_start3A_13 = tpu.memref_slice %arg3[%mul3A_2] : memref<1024xi32, #tpu.memory_space<hbm>> -> memref<32xi32, #tpu.memory_space<hbm>>
      %dma_start3A_14 = tpu.memref_slice %arg3[%mul3A_2] : memref<1024xi32, #tpu.memory_space<hbm>> -> memref<32xi32, #tpu.memory_space<hbm>>
      tpu.enqueue_dma source(%dma_start3A_14 : memref<32xi32, #tpu.memory_space<hbm>>) target(%arg6 : memref<32xi32, #tpu.memory_space<vmem>>) target_semaphore(%run_scoped3A : memref<!tpu.dma_semaphore, #tpu.memory_space<semaphore_mem>>)
      %dma_wait3A_15 = tpu.memref_slice %arg3[%mul3A_2] : memref<1024xi32, #tpu.memory_space<hbm>> -> memref<32xi32, #tpu.memory_space<hbm>>
      %dma_wait3A_16 = tpu.memref_slice %arg3[%mul3A_2] : memref<1024xi32, #tpu.memory_space<hbm>> -> memref<32xi32, #tpu.memory_space<hbm>>
      tpu.wait_dma2 semaphore(%run_scoped3A : memref<!tpu.dma_semaphore, #tpu.memory_space<semaphore_mem>>) src(%dma_wait3A_16 : memref<32xi32, #tpu.memory_space<hbm>>) dst(%arg6 : memref<32xi32, #tpu.memory_space<vmem>>)
      tpu.yield
    }) : () -> ()
    "tpu.region"() ({
      %run_scoped3A = tpu.sem_alloc : memref<!tpu.dma_semaphore, #tpu.memory_space<semaphore_mem>>
      %dma_start3A_13 = tpu.memref_slice %arg4[%mul3A_2] : memref<1024xi32, #tpu.memory_space<hbm>> -> memref<32xi32, #tpu.memory_space<hbm>>
      %dma_start3A_14 = tpu.memref_slice %arg4[%mul3A_2] : memref<1024xi32, #tpu.memory_space<hbm>> -> memref<32xi32, #tpu.memory_space<hbm>>
      tpu.enqueue_dma source(%dma_start3A_14 : memref<32xi32, #tpu.memory_space<hbm>>) target(%arg7 : memref<32xi32, #tpu.memory_space<vmem>>) target_semaphore(%run_scoped3A : memref<!tpu.dma_semaphore, #tpu.memory_space<semaphore_mem>>)
      %dma_wait3A_15 = tpu.memref_slice %arg4[%mul3A_2] : memref<1024xi32, #tpu.memory_space<hbm>> -> memref<32xi32, #tpu.memory_space<hbm>>
      %dma_wait3A_16 = tpu.memref_slice %arg4[%mul3A_2] : memref<1024xi32, #tpu.memory_space<hbm>> -> memref<32xi32, #tpu.memory_space<hbm>>
      tpu.wait_dma2 semaphore(%run_scoped3A : memref<!tpu.dma_semaphore, #tpu.memory_space<semaphore_mem>>) src(%dma_wait3A_16 : memref<32xi32, #tpu.memory_space<hbm>>) dst(%arg7 : memref<32xi32, #tpu.memory_space<vmem>>)
      tpu.yield
    }) : () -> ()
    "tpu.region"() ({
      %run_scoped3A = tpu.sem_alloc : memref<!tpu.dma_semaphore, #tpu.memory_space<semaphore_mem>>
      %dma_start3A_13 = arith.constant 0 : i32
      %dma_start3A_14 = tpu.memref_slice %arg2[%mul3A_2, %dma_start3A_13] : memref<1024x768xf32, #tpu.memory_space<hbm>> -> memref<32x768xf32, #tpu.memory_space<hbm>>
      %dma_start3A_15 = arith.constant 0 : i32
      %dma_start3A_16 = tpu.memref_slice %arg2[%mul3A_2, %dma_start3A_15] : memref<1024x768xf32, #tpu.memory_space<hbm>> -> memref<32x768xf32, #tpu.memory_space<hbm>>
      tpu.enqueue_dma source(%dma_start3A_16 : memref<32x768xf32, #tpu.memory_space<hbm>>) target(%arg8 : memref<32x768xf32, #tpu.memory_space<vmem>>) target_semaphore(%run_scoped3A : memref<!tpu.dma_semaphore, #tpu.memory_space<semaphore_mem>>)
      %dma_wait3A_17 = arith.constant 0 : i32
      %dma_wait3A_18 = tpu.memref_slice %arg2[%mul3A_2, %dma_wait3A_17] : memref<1024x768xf32, #tpu.memory_space<hbm>> -> memref<32x768xf32, #tpu.memory_space<hbm>>
      %dma_wait3A_19 = arith.constant 0 : i32
      %dma_wait3A_20 = tpu.memref_slice %arg2[%mul3A_2, %dma_wait3A_19] : memref<1024x768xf32, #tpu.memory_space<hbm>> -> memref<32x768xf32, #tpu.memory_space<hbm>>
      tpu.wait_dma2 semaphore(%run_scoped3A : memref<!tpu.dma_semaphore, #tpu.memory_space<semaphore_mem>>) src(%dma_wait3A_20 : memref<32x768xf32, #tpu.memory_space<hbm>>) dst(%arg8 : memref<32x768xf32, #tpu.memory_space<vmem>>)
      tpu.yield
    }) : () -> ()
    %dma_start3A = arith.constant 0 : i32
    %dma_start3A_3 = arith.constant 0 : i32
    %dma_start3A_4 = tpu.memref_slice %arg5[%dma_start3A, %dma_start3A_3] : memref<4096x768xf32, #tpu.memory_space<hbm>> -> memref<4096x768xf32, #tpu.memory_space<hbm>>
    tpu.enqueue_indirect_dma source(%arg8 : memref<32x768xf32, #tpu.memory_space<vmem>>) target(%dma_start3A_4 : memref<4096x768xf32, #tpu.memory_space<hbm>>) offsets(%arg6 : memref<32xi32, #tpu.memory_space<vmem>>) semaphore(%arg9 : memref<!tpu.dma_semaphore, #tpu.memory_space<semaphore_mem>>)
    %dma_start3A_5 = arith.constant 0 : i32
    %dma_start3A_6 = arith.constant 0 : i32
    %dma_start3A_7 = tpu.memref_slice %arg5[%dma_start3A_5, %dma_start3A_6] : memref<4096x768xf32, #tpu.memory_space<hbm>> -> memref<4096x768xf32, #tpu.memory_space<hbm>>
    tpu.enqueue_indirect_dma source(%arg8 : memref<32x768xf32, #tpu.memory_space<vmem>>) target(%dma_start3A_7 : memref<4096x768xf32, #tpu.memory_space<hbm>>) offsets(%arg7 : memref<32xi32, #tpu.memory_space<vmem>>) semaphore(%arg9 : memref<!tpu.dma_semaphore, #tpu.memory_space<semaphore_mem>>)
    %dma_wait3A = arith.constant 0 : i32
    %dma_wait3A_8 = arith.constant 0 : i32
    %dma_wait3A_9 = tpu.memref_slice %arg5[%dma_wait3A, %dma_wait3A_8] : memref<4096x768xf32, #tpu.memory_space<hbm>> -> memref<4096x768xf32, #tpu.memory_space<hbm>>
    tpu.wait_indirect_dma semaphore(%arg9 : memref<!tpu.dma_semaphore, #tpu.memory_space<semaphore_mem>>) src(%arg8 : memref<32x768xf32, #tpu.memory_space<vmem>>) dst(%dma_wait3A_9 : memref<4096x768xf32, #tpu.memory_space<hbm>>)
    %dma_wait3A_10 = arith.constant 0 : i32
    %dma_wait3A_11 = arith.constant 0 : i32
    %dma_wait3A_12 = tpu.memref_slice %arg5[%dma_wait3A_10, %dma_wait3A_11] : memref<4096x768xf32, #tpu.memory_space<hbm>> -> memref<4096x768xf32, #tpu.memory_space<hbm>>
    tpu.wait_indirect_dma semaphore(%arg9 : memref<!tpu.dma_semaphore, #tpu.memory_space<semaphore_mem>>) src(%arg8 : memref<32x768xf32, #tpu.memory_space<vmem>>) dst(%dma_wait3A_12 : memref<4096x768xf32, #tpu.memory_space<hbm>>)
    return
  }
}

#map = affine_map<(d0, d1) -> (0, 0)>
#map1 = affine_map<(d0, d1) -> (0)>
module attributes {stable_mosaic.version = 14 : i64} {
  func.func @k(%arg0: i32, %arg1: i32, %arg2: memref<4096x768xf32, #tpu.memory_space<hbm>>, %arg3: memref<1024xi32, #tpu.memory_space<hbm>>, %arg4: memref<1024xi32, #tpu.memory_space<hbm>>, %arg5: memref<1024x768xf32, #tpu.memory_space<hbm>>, %arg6: memref<1024x768xf32, #tpu.memory_space<hbm>>, %arg7: memref<32xi32, #tpu.memory_space<vmem>>, %arg8: memref<32xi32, #tpu.memory_space<vmem>>, %arg9: memref<32x768xf32, #tpu.memory_space<vmem>>, %arg10: memref<32x768xf32, #tpu.memory_space<vmem>>, %arg11: memref<!tpu.dma_semaphore, #tpu.memory_space<semaphore_mem>>) attributes {dimension_semantics = [#tpu.dimension_semantics<core_parallel>, #tpu.dimension_semantics<subcore_parallel>], iteration_bounds = array<i64: 2, 16>, scalar_prefetch = 0 : i64, scratch_operands = 5 : i64, tpu.core_type = #tpu.core_type<sc_vector_subcore>, window_params = [{transform_indices = #map}, {transform_indices = #map1}, {transform_indices = #map1}, {transform_indices = #map}, {transform_indices = #map}]} {
    %mul3A = arith.constant 2 : i32
    %mul3A_0 = arith.muli %arg1, %mul3A : i32
    %add3A = arith.addi %mul3A_0, %arg0 : i32
    %mul3A_1 = arith.constant 32 : i32
    %mul3A_2 = arith.muli %add3A, %mul3A_1 : i32
    "tpu.region"() ({
      %run_scoped3A = tpu.sem_alloc : memref<!tpu.dma_semaphore, #tpu.memory_space<semaphore_mem>>
      %dma_start3A_13 = tpu.memref_slice %arg3[%mul3A_2] : memref<1024xi32, #tpu.memory_space<hbm>> -> memref<32xi32, #tpu.memory_space<hbm>>
      %dma_start3A_14 = tpu.memref_slice %arg3[%mul3A_2] : memref<1024xi32, #tpu.memory_space<hbm>> -> memref<32xi32, #tpu.memory_space<hbm>>
      tpu.enqueue_dma source(%dma_start3A_14 : memref<32xi32, #tpu.memory_space<hbm>>) target(%arg7 : memref<32xi32, #tpu.memory_space<vmem>>) target_semaphore(%run_scoped3A : memref<!tpu.dma_semaphore, #tpu.memory_space<semaphore_mem>>)
      %dma_wait3A_15 = tpu.memref_slice %arg3[%mul3A_2] : memref<1024xi32, #tpu.memory_space<hbm>> -> memref<32xi32, #tpu.memory_space<hbm>>
      %dma_wait3A_16 = tpu.memref_slice %arg3[%mul3A_2] : memref<1024xi32, #tpu.memory_space<hbm>> -> memref<32xi32, #tpu.memory_space<hbm>>
      tpu.wait_dma2 semaphore(%run_scoped3A : memref<!tpu.dma_semaphore, #tpu.memory_space<semaphore_mem>>) src(%dma_wait3A_16 : memref<32xi32, #tpu.memory_space<hbm>>) dst(%arg7 : memref<32xi32, #tpu.memory_space<vmem>>)
      tpu.yield
    }) : () -> ()
    "tpu.region"() ({
      %run_scoped3A = tpu.sem_alloc : memref<!tpu.dma_semaphore, #tpu.memory_space<semaphore_mem>>
      %dma_start3A_13 = tpu.memref_slice %arg4[%mul3A_2] : memref<1024xi32, #tpu.memory_space<hbm>> -> memref<32xi32, #tpu.memory_space<hbm>>
      %dma_start3A_14 = tpu.memref_slice %arg4[%mul3A_2] : memref<1024xi32, #tpu.memory_space<hbm>> -> memref<32xi32, #tpu.memory_space<hbm>>
      tpu.enqueue_dma source(%dma_start3A_14 : memref<32xi32, #tpu.memory_space<hbm>>) target(%arg8 : memref<32xi32, #tpu.memory_space<vmem>>) target_semaphore(%run_scoped3A : memref<!tpu.dma_semaphore, #tpu.memory_space<semaphore_mem>>)
      %dma_wait3A_15 = tpu.memref_slice %arg4[%mul3A_2] : memref<1024xi32, #tpu.memory_space<hbm>> -> memref<32xi32, #tpu.memory_space<hbm>>
      %dma_wait3A_16 = tpu.memref_slice %arg4[%mul3A_2] : memref<1024xi32, #tpu.memory_space<hbm>> -> memref<32xi32, #tpu.memory_space<hbm>>
      tpu.wait_dma2 semaphore(%run_scoped3A : memref<!tpu.dma_semaphore, #tpu.memory_space<semaphore_mem>>) src(%dma_wait3A_16 : memref<32xi32, #tpu.memory_space<hbm>>) dst(%arg8 : memref<32xi32, #tpu.memory_space<vmem>>)
      tpu.yield
    }) : () -> ()
    %dma_start3A = arith.constant 0 : i32
    %dma_start3A_3 = arith.constant 0 : i32
    %dma_start3A_4 = tpu.memref_slice %arg2[%dma_start3A, %dma_start3A_3] : memref<4096x768xf32, #tpu.memory_space<hbm>> -> memref<4096x768xf32, #tpu.memory_space<hbm>>
    tpu.enqueue_indirect_dma source(%dma_start3A_4 : memref<4096x768xf32, #tpu.memory_space<hbm>>) target(%arg9 : memref<32x768xf32, #tpu.memory_space<vmem>>) offsets(%arg7 : memref<32xi32, #tpu.memory_space<vmem>>) semaphore(%arg11 : memref<!tpu.dma_semaphore, #tpu.memory_space<semaphore_mem>>)
    %dma_start3A_5 = arith.constant 0 : i32
    %dma_start3A_6 = arith.constant 0 : i32
    %dma_start3A_7 = tpu.memref_slice %arg2[%dma_start3A_5, %dma_start3A_6] : memref<4096x768xf32, #tpu.memory_space<hbm>> -> memref<4096x768xf32, #tpu.memory_space<hbm>>
    tpu.enqueue_indirect_dma source(%dma_start3A_7 : memref<4096x768xf32, #tpu.memory_space<hbm>>) target(%arg10 : memref<32x768xf32, #tpu.memory_space<vmem>>) offsets(%arg8 : memref<32xi32, #tpu.memory_space<vmem>>) semaphore(%arg11 : memref<!tpu.dma_semaphore, #tpu.memory_space<semaphore_mem>>)
    %dma_wait3A = arith.constant 0 : i32
    %dma_wait3A_8 = arith.constant 0 : i32
    %dma_wait3A_9 = tpu.memref_slice %arg2[%dma_wait3A, %dma_wait3A_8] : memref<4096x768xf32, #tpu.memory_space<hbm>> -> memref<4096x768xf32, #tpu.memory_space<hbm>>
    tpu.wait_indirect_dma semaphore(%arg11 : memref<!tpu.dma_semaphore, #tpu.memory_space<semaphore_mem>>) src(%dma_wait3A_9 : memref<4096x768xf32, #tpu.memory_space<hbm>>) dst(%arg9 : memref<32x768xf32, #tpu.memory_space<vmem>>)
    "tpu.region"() ({
      %run_scoped3A = tpu.sem_alloc : memref<!tpu.dma_semaphore, #tpu.memory_space<semaphore_mem>>
      %dma_start3A_13 = arith.constant 0 : i32
      %dma_start3A_14 = tpu.memref_slice %arg5[%mul3A_2, %dma_start3A_13] : memref<1024x768xf32, #tpu.memory_space<hbm>> -> memref<32x768xf32, #tpu.memory_space<hbm>>
      %dma_start3A_15 = arith.constant 0 : i32
      %dma_start3A_16 = tpu.memref_slice %arg5[%mul3A_2, %dma_start3A_15] : memref<1024x768xf32, #tpu.memory_space<hbm>> -> memref<32x768xf32, #tpu.memory_space<hbm>>
      tpu.enqueue_dma source(%arg9 : memref<32x768xf32, #tpu.memory_space<vmem>>) target(%dma_start3A_16 : memref<32x768xf32, #tpu.memory_space<hbm>>) target_semaphore(%run_scoped3A : memref<!tpu.dma_semaphore, #tpu.memory_space<semaphore_mem>>)
      %dma_wait3A_17 = arith.constant 0 : i32
      %dma_wait3A_18 = tpu.memref_slice %arg5[%mul3A_2, %dma_wait3A_17] : memref<1024x768xf32, #tpu.memory_space<hbm>> -> memref<32x768xf32, #tpu.memory_space<hbm>>
      %dma_wait3A_19 = arith.constant 0 : i32
      %dma_wait3A_20 = tpu.memref_slice %arg5[%mul3A_2, %dma_wait3A_19] : memref<1024x768xf32, #tpu.memory_space<hbm>> -> memref<32x768xf32, #tpu.memory_space<hbm>>
      tpu.wait_dma2 semaphore(%run_scoped3A : memref<!tpu.dma_semaphore, #tpu.memory_space<semaphore_mem>>) src(%arg9 : memref<32x768xf32, #tpu.memory_space<vmem>>) dst(%dma_wait3A_20 : memref<32x768xf32, #tpu.memory_space<hbm>>)
      tpu.yield
    }) : () -> ()
    %dma_wait3A_10 = arith.constant 0 : i32
    %dma_wait3A_11 = arith.constant 0 : i32
    %dma_wait3A_12 = tpu.memref_slice %arg2[%dma_wait3A_10, %dma_wait3A_11] : memref<4096x768xf32, #tpu.memory_space<hbm>> -> memref<4096x768xf32, #tpu.memory_space<hbm>>
    tpu.wait_indirect_dma semaphore(%arg11 : memref<!tpu.dma_semaphore, #tpu.memory_space<semaphore_mem>>) src(%dma_wait3A_12 : memref<4096x768xf32, #tpu.memory_space<hbm>>) dst(%arg10 : memref<32x768xf32, #tpu.memory_space<vmem>>)
    "tpu.region"() ({
      %run_scoped3A = tpu.sem_alloc : memref<!tpu.dma_semaphore, #tpu.memory_space<semaphore_mem>>
      %dma_start3A_13 = arith.constant 0 : i32
      %dma_start3A_14 = tpu.memref_slice %arg6[%mul3A_2, %dma_start3A_13] : memref<1024x768xf32, #tpu.memory_space<hbm>> -> memref<32x768xf32, #tpu.memory_space<hbm>>
      %dma_start3A_15 = arith.constant 0 : i32
      %dma_start3A_16 = tpu.memref_slice %arg6[%mul3A_2, %dma_start3A_15] : memref<1024x768xf32, #tpu.memory_space<hbm>> -> memref<32x768xf32, #tpu.memory_space<hbm>>
      tpu.enqueue_dma source(%arg10 : memref<32x768xf32, #tpu.memory_space<vmem>>) target(%dma_start3A_16 : memref<32x768xf32, #tpu.memory_space<hbm>>) target_semaphore(%run_scoped3A : memref<!tpu.dma_semaphore, #tpu.memory_space<semaphore_mem>>)
      %dma_wait3A_17 = arith.constant 0 : i32
      %dma_wait3A_18 = tpu.memref_slice %arg6[%mul3A_2, %dma_wait3A_17] : memref<1024x768xf32, #tpu.memory_space<hbm>> -> memref<32x768xf32, #tpu.memory_space<hbm>>
      %dma_wait3A_19 = arith.constant 0 : i32
      %dma_wait3A_20 = tpu.memref_slice %arg6[%mul3A_2, %dma_wait3A_19] : memref<1024x768xf32, #tpu.memory_space<hbm>> -> memref<32x768xf32, #tpu.memory_space<hbm>>
      tpu.wait_dma2 semaphore(%run_scoped3A : memref<!tpu.dma_semaphore, #tpu.memory_space<semaphore_mem>>) src(%arg10 : memref<32x768xf32, #tpu.memory_space<vmem>>) dst(%dma_wait3A_20 : memref<32x768xf32, #tpu.memory_space<hbm>>)
      tpu.yield
    }) : () -> ()
    return
  }
}

module attributes {stable_mosaic.version = 14 : i64} {
  func.func @_meta_body(%arg0: memref<1024x768xf32, #tpu.memory_space<vmem>>, %arg1: memref<768x8xf32, #tpu.memory_space<vmem>>, %arg2: memref<1024x1024xbf16, #tpu.memory_space<vmem>>, %arg3: memref<1024xi32, #tpu.memory_space<vmem>>, %arg4: memref<1024xi32, #tpu.memory_space<vmem>>, %arg5: memref<1024x1xf32, #tpu.memory_space<vmem>>, %arg6: memref<1024x1xf32, #tpu.memory_space<vmem>>, %arg7: memref<16xi32, #tpu.memory_space<vmem>>, %arg8: memref<16xi32, #tpu.memory_space<vmem>>, %arg9: memref<8xi32, #tpu.memory_space<vmem>>) attributes {dimension_semantics = [], scalar_prefetch = 0 : i64, scratch_operands = 0 : i64, tpu.core_type = #tpu.core_type<tc>} {
    %get3A = arith.constant 0 : index
    %get3A_0 = arith.constant 0 : index
    %get3A_1 = vector.load %arg0[%get3A, %get3A_0] : memref<1024x768xf32, #tpu.memory_space<vmem>>, vector<1024x768xf32>
    %get3A_2 = arith.constant 0 : index
    %get3A_3 = arith.constant 0 : index
    %get3A_4 = vector.load %arg1[%get3A_2, %get3A_3] : memref<768x8xf32, #tpu.memory_space<vmem>>, vector<768x8xf32>
    %dot_general3A = arith.constant dense<0.000000e+00> : vector<1024x8xf32>
    %dot_general3A_5 = tpu.matmul %get3A_1, %get3A_4, %dot_general3A {dimension_numbers = #tpu.dot_dimension_numbers<[1], [0], [0], [1], [0, 0, 1, 1], [], []>, transpose_lhs_hint = false} : vector<1024x768xf32>, vector<768x8xf32>, vector<1024x8xf32> -> vector<1024x8xf32>
    %iota3A = tpu.iota {dimensions = array<i32: 1>} : vector<1024x8xi32>
    %argmax3A = tpu.reduce_index %dot_general3A_5 {axis = 1 : i32, kind = #tpu.reduction_kind<arg_max>} : vector<1024x8xf32> -> vector<1024xi32>
    %broadcast_in_dim3A = vector.shape_cast %argmax3A : vector<1024xi32> to vector<1024x1xi32>
    %eq3A = vector.broadcast %broadcast_in_dim3A : vector<1024x1xi32> to vector<1024x8xi32>
    %eq3A_6 = arith.cmpi eq, %iota3A, %eq3A : vector<1024x8xi32>
    %reduce_max3A = arith.constant dense<0xFF800000> : vector<1024xf32>
    %reduce_max3A_7 = vector.multi_reduction <maximumf>, %dot_general3A_5, %reduce_max3A [1] : vector<1024x8xf32> to vector<1024xf32>
    %broadcast_in_dim3A_8 = vector.shape_cast %reduce_max3A_7 : vector<1024xf32> to vector<1024x1xf32>
    %jit3A = arith.constant -3.40282347E+38 : f32
    %broadcast_in_dim3A_9 = vector.broadcast %jit3A : f32 to vector<1024x8xf32>
    %select_n3A = arith.select %eq3A_6, %broadcast_in_dim3A_9, %dot_general3A_5 : vector<1024x8xi1>, vector<1024x8xf32>
    %argmax3A_10 = tpu.reduce_index %select_n3A {axis = 1 : i32, kind = #tpu.reduction_kind<arg_max>} : vector<1024x8xf32> -> vector<1024xi32>
    %broadcast_in_dim3A_11 = vector.shape_cast %argmax3A_10 : vector<1024xi32> to vector<1024x1xi32>
    %eq3A_12 = vector.broadcast %broadcast_in_dim3A_11 : vector<1024x1xi32> to vector<1024x8xi32>
    %eq3A_13 = arith.cmpi eq, %iota3A, %eq3A_12 : vector<1024x8xi32>
    %reduce_max3A_14 = arith.constant dense<0xFF800000> : vector<1024xf32>
    %reduce_max3A_15 = vector.multi_reduction <maximumf>, %select_n3A, %reduce_max3A_14 [1] : vector<1024x8xf32> to vector<1024xf32>
    %broadcast_in_dim3A_16 = vector.shape_cast %reduce_max3A_15 : vector<1024xf32> to vector<1024x1xf32>
    %sub3A = arith.subf %broadcast_in_dim3A_16, %broadcast_in_dim3A_8 : vector<1024x1xf32>
    %exp3A = math.exp %sub3A : vector<1024x1xf32>
    %add3A = arith.constant 1.000000e+00 : f32
    %add3A_17 = vector.broadcast %add3A : f32 to vector<1024x1xf32>
    %add3A_18 = arith.addf %add3A_17, %exp3A : vector<1024x1xf32>
    %div3A = arith.constant 1.000000e+00 : f32
    %div3A_19 = vector.broadcast %div3A : f32 to vector<1024x1xf32>
    %div3A_20 = arith.divf %div3A_19, %add3A_18 : vector<1024x1xf32>
    %swap3A = arith.constant 0 : index
    %swap3A_21 = arith.constant 0 : index
    %swap3A_22 = vector.load %arg5[%swap3A, %swap3A_21] : memref<1024x1xf32, #tpu.memory_space<vmem>>, vector<1024x1xf32>
    tpu.vector_store %arg5[%swap3A, %swap3A_21], %div3A_20 {strides = array<i32>} : memref<1024x1xf32, #tpu.memory_space<vmem>>, vector<1024x1xf32>,
    %sub3A_23 = arith.constant 1.000000e+00 : f32
    %sub3A_24 = vector.broadcast %sub3A_23 : f32 to vector<1024x1xf32>
    %sub3A_25 = arith.subf %sub3A_24, %div3A_20 : vector<1024x1xf32>
    %swap3A_26 = arith.constant 0 : index
    %swap3A_27 = arith.constant 0 : index
    %swap3A_28 = vector.load %arg6[%swap3A_26, %swap3A_27] : memref<1024x1xf32, #tpu.memory_space<vmem>>, vector<1024x1xf32>
    tpu.vector_store %arg6[%swap3A_26, %swap3A_27], %sub3A_25 {strides = array<i32>} : memref<1024x1xf32, #tpu.memory_space<vmem>>, vector<1024x1xf32>,
    %or3A = arith.ori %eq3A_6, %eq3A_13 : vector<1024x8xi1>
    %convert_element_type3A = arith.extui %or3A : vector<1024x8xi1> to vector<1024x8xi32>
    %convert_element_type3A_29 = arith.sitofp %convert_element_type3A : vector<1024x8xi32> to vector<1024x8xf32>
    %reduce_sum3A = arith.constant dense<0.000000e+00> : vector<8xf32>
    %reduce_sum3A_30 = vector.multi_reduction <add>, %convert_element_type3A_29, %reduce_sum3A [0] : vector<1024x8xf32> to vector<8xf32>
    %add3A_31 = arith.constant 2.550000e+02 : f32
    %add3A_32 = vector.broadcast %add3A_31 : f32 to vector<8xf32>
    %add3A_33 = arith.addf %reduce_sum3A_30, %add3A_32 : vector<8xf32>
    %div3A_34 = arith.constant 2.560000e+02 : f32
    %div3A_35 = vector.broadcast %div3A_34 : f32 to vector<8xf32>
    %div3A_36 = arith.divf %add3A_33, %div3A_35 : vector<8xf32>
    %floor3A = math.floor %div3A_36 : vector<8xf32>
    %mul3A = arith.constant 2.560000e+02 : f32
    %mul3A_37 = vector.broadcast %mul3A : f32 to vector<8xf32>
    %mul3A_38 = arith.mulf %floor3A, %mul3A_37 : vector<8xf32>
    %iota3A_39 = tpu.iota {dimensions = array<i32: 0>} : vector<8x8xi32>
    %iota3A_40 = tpu.iota {dimensions = array<i32: 1>} : vector<8x8xi32>
    %lt3A = arith.cmpi slt, %iota3A_39, %iota3A_40 : vector<8x8xi32>
    %convert_element_type3A_41 = arith.extui %lt3A : vector<8x8xi1> to vector<8x8xi32>
    %convert_element_type3A_42 = arith.sitofp %convert_element_type3A_41 : vector<8x8xi32> to vector<8x8xf32>
    %broadcast_in_dim3A_43 = vector.shape_cast %mul3A_38 : vector<8xf32> to vector<8x1xf32>
    %mul3A_44 = vector.broadcast %broadcast_in_dim3A_43 : vector<8x1xf32> to vector<8x8xf32>
    %mul3A_45 = arith.mulf %convert_element_type3A_42, %mul3A_44 : vector<8x8xf32>
    %reduce_sum3A_46 = arith.constant dense<0.000000e+00> : vector<8xf32>
    %reduce_sum3A_47 = vector.multi_reduction <add>, %mul3A_45, %reduce_sum3A_46 [0] : vector<8x8xf32> to vector<8xf32>
    %broadcast_in_dim3A_48 = vector.shape_cast %floor3A : vector<8xf32> to vector<8x1xf32>
    %mul3A_49 = vector.broadcast %broadcast_in_dim3A_48 : vector<8x1xf32> to vector<8x8xf32>
    %mul3A_50 = arith.mulf %convert_element_type3A_42, %mul3A_49 : vector<8x8xf32>
    %reduce_sum3A_51 = arith.constant dense<0.000000e+00> : vector<8xf32>
    %reduce_sum3A_52 = vector.multi_reduction <add>, %mul3A_50, %reduce_sum3A_51 [0] : vector<8x8xf32> to vector<8xf32>
    %reduce_sum3A_53 = vector.shape_cast %floor3A : vector<8xf32> to vector<1x8xf32>
    %reduce_sum3A_54 = arith.constant dense<0.000000e+00> : vector<1xf32>
    %reduce_sum3A_55 = vector.multi_reduction <add>, %reduce_sum3A_53, %reduce_sum3A_54 [1] : vector<1x8xf32> to vector<1xf32>
    %reduce_sum3A_56 = vector.shape_cast %reduce_sum3A_55 : vector<1xf32> to vector<1x1xf32>
    %reduce_sum3A_57 = vector.extract %reduce_sum3A_56[0, 0] : f32 from vector<1x1xf32>
    %get3A_58 = arith.constant 0 : index
    %get3A_59 = arith.constant 0 : index
    %get3A_60 = vector.load %arg2[%get3A_58, %get3A_59] : memref<1024x1024xbf16, #tpu.memory_space<vmem>>, vector<1024x1024xbf16>
    %convert_element_type3A_61 = arith.truncf %convert_element_type3A_29 : vector<1024x8xf32> to vector<1024x8xbf16>
    %convert_element_type3A_62 = arith.extf %convert_element_type3A_61 : vector<1024x8xbf16> to vector<1024x8xf32>
    %dot_general3A_63 = arith.constant dense<0.000000e+00> : vector<1024x8xf32>
    %dot_general3A_64 = tpu.matmul %get3A_60, %convert_element_type3A_62, %dot_general3A_63 {dimension_numbers = #tpu.dot_dimension_numbers<[1], [0], [0], [1], [0, 0, 1, 1], [], []>, transpose_lhs_hint = false} : vector<1024x1024xbf16>, vector<1024x8xf32>, vector<1024x8xf32> -> vector<1024x8xf32>
    %broadcast_in_dim3A_65 = vector.shape_cast %reduce_sum3A_47 : vector<8xf32> to vector<1x8xf32>
    %add3A_66 = vector.broadcast %broadcast_in_dim3A_65 : vector<1x8xf32> to vector<1024x8xf32>
    %add3A_67 = arith.addf %add3A_66, %dot_general3A_64 : vector<1024x8xf32>
    %sub3A_68 = arith.constant 1.000000e+00 : f32
    %sub3A_69 = vector.broadcast %sub3A_68 : f32 to vector<1024x8xf32>
    %sub3A_70 = arith.subf %add3A_67, %sub3A_69 : vector<1024x8xf32>
    %jit3A_71 = arith.constant 0.000000e+00 : f32
    %broadcast_in_dim3A_72 = vector.broadcast %jit3A_71 : f32 to vector<1024x8xf32>
    %select_n3A_73 = arith.select %eq3A_6, %sub3A_70, %broadcast_in_dim3A_72 : vector<1024x8xi1>, vector<1024x8xf32>
    %reduce_sum3A_74 = arith.constant dense<0.000000e+00> : vector<1024xf32>
    %reduce_sum3A_75 = vector.multi_reduction <add>, %select_n3A_73, %reduce_sum3A_74 [1] : vector<1024x8xf32> to vector<1024xf32>
    %jit3A_76 = arith.constant 0.000000e+00 : f32
    %broadcast_in_dim3A_77 = vector.broadcast %jit3A_76 : f32 to vector<1024x8xf32>
    %select_n3A_78 = arith.select %eq3A_13, %sub3A_70, %broadcast_in_dim3A_77 : vector<1024x8xi1>, vector<1024x8xf32>
    %reduce_sum3A_79 = arith.constant dense<0.000000e+00> : vector<1024xf32>
    %reduce_sum3A_80 = vector.multi_reduction <add>, %select_n3A_78, %reduce_sum3A_79 [1] : vector<1024x8xf32> to vector<1024xf32>
    %convert_element_type3A_81 = arith.fptosi %reduce_sum3A_75 : vector<1024xf32> to vector<1024xi32>
    %swap3A_82 = arith.constant 0 : index
    %swap3A_83 = vector.load %arg3[%swap3A_82] : memref<1024xi32, #tpu.memory_space<vmem>>, vector<1024xi32>
    tpu.vector_store %arg3[%swap3A_82], %convert_element_type3A_81 {strides = array<i32>} : memref<1024xi32, #tpu.memory_space<vmem>>, vector<1024xi32>,
    %convert_element_type3A_84 = arith.fptosi %reduce_sum3A_80 : vector<1024xf32> to vector<1024xi32>
    %swap3A_85 = arith.constant 0 : index
    %swap3A_86 = vector.load %arg4[%swap3A_85] : memref<1024xi32, #tpu.memory_space<vmem>>, vector<1024xi32>
    tpu.vector_store %arg4[%swap3A_85], %convert_element_type3A_84 {strides = array<i32>} : memref<1024xi32, #tpu.memory_space<vmem>>, vector<1024xi32>,
    %iota3A_87 = tpu.iota {dimensions = array<i32: 0>} : vector<16x8xi32>
    %convert_element_type3A_88 = arith.sitofp %iota3A_87 : vector<16x8xi32> to vector<16x8xf32>
    %sub3A_89 = arith.constant 1.000000e+00 : f32
    %sub3A_90 = arith.subf %reduce_sum3A_57, %sub3A_89 : f32
    %min3A = vector.broadcast %sub3A_90 : f32 to vector<16x8xf32>
    %min3A_91 = arith.minimumf %convert_element_type3A_88, %min3A : vector<16x8xf32>
    %broadcast_in_dim3A_92 = vector.shape_cast %reduce_sum3A_52 : vector<8xf32> to vector<1x8xf32>
    %ge3A = vector.broadcast %broadcast_in_dim3A_92 : vector<1x8xf32> to vector<16x8xf32>
    %ge3A_93 = arith.cmpf oge, %min3A_91, %ge3A : vector<16x8xf32>
    %broadcast_in_dim3A_94 = vector.shape_cast %floor3A : vector<8xf32> to vector<1x8xf32>
    %add3A_95 = arith.addf %broadcast_in_dim3A_92, %broadcast_in_dim3A_94 : vector<1x8xf32>
    %lt3A_96 = vector.broadcast %add3A_95 : vector<1x8xf32> to vector<16x8xf32>
    %lt3A_97 = arith.cmpf olt, %min3A_91, %lt3A_96 : vector<16x8xf32>
    %and3A = arith.andi %ge3A_93, %lt3A_97 : vector<16x8xi1>
    %convert_element_type3A_98 = arith.extui %and3A : vector<16x8xi1> to vector<16x8xi32>
    %convert_element_type3A_99 = arith.sitofp %convert_element_type3A_98 : vector<16x8xi32> to vector<16x8xf32>
    %iota3A_100 = tpu.iota {dimensions = array<i32: 1>} : vector<16x8xi32>
    %convert_element_type3A_101 = arith.sitofp %iota3A_100 : vector<16x8xi32> to vector<16x8xf32>
    %mul3A_102 = arith.mulf %convert_element_type3A_99, %convert_element_type3A_101 : vector<16x8xf32>
    %reduce_sum3A_103 = arith.constant dense<0.000000e+00> : vector<16xf32>
    %reduce_sum3A_104 = vector.multi_reduction <add>, %mul3A_102, %reduce_sum3A_103 [1] : vector<16x8xf32> to vector<16xf32>
    %broadcast_in_dim3A_105 = vector.shape_cast %reduce_sum3A_47 : vector<8xf32> to vector<1x8xf32>
    %div3A_106 = arith.constant 2.560000e+02 : f32
    %div3A_107 = vector.broadcast %div3A_106 : f32 to vector<1x8xf32>
    %div3A_108 = arith.divf %broadcast_in_dim3A_105, %div3A_107 : vector<1x8xf32>
    %add3A_109 = vector.broadcast %div3A_108 : vector<1x8xf32> to vector<16x8xf32>
    %add3A_110 = arith.addf %add3A_109, %min3A_91 : vector<16x8xf32>
    %sub3A_111 = vector.broadcast %broadcast_in_dim3A_92 : vector<1x8xf32> to vector<16x8xf32>
    %sub3A_112 = arith.subf %add3A_110, %sub3A_111 : vector<16x8xf32>
    %mul3A_113 = arith.mulf %convert_element_type3A_99, %sub3A_112 : vector<16x8xf32>
    %reduce_sum3A_114 = arith.constant dense<0.000000e+00> : vector<16xf32>
    %reduce_sum3A_115 = vector.multi_reduction <add>, %mul3A_113, %reduce_sum3A_114 [1] : vector<16x8xf32> to vector<16xf32>
    %convert_element_type3A_116 = arith.fptosi %reduce_sum3A_104 : vector<16xf32> to vector<16xi32>
    %swap3A_117 = arith.constant 0 : index
    %swap3A_118 = vector.load %arg7[%swap3A_117] : memref<16xi32, #tpu.memory_space<vmem>>, vector<16xi32>
    tpu.vector_store %arg7[%swap3A_117], %convert_element_type3A_116 {strides = array<i32>} : memref<16xi32, #tpu.memory_space<vmem>>, vector<16xi32>,
    %convert_element_type3A_119 = arith.fptosi %reduce_sum3A_115 : vector<16xf32> to vector<16xi32>
    %swap3A_120 = arith.constant 0 : index
    %swap3A_121 = vector.load %arg8[%swap3A_120] : memref<16xi32, #tpu.memory_space<vmem>>, vector<16xi32>
    tpu.vector_store %arg8[%swap3A_120], %convert_element_type3A_119 {strides = array<i32>} : memref<16xi32, #tpu.memory_space<vmem>>, vector<16xi32>,
    %broadcast_in_dim3A_122 = vector.broadcast %reduce_sum3A_57 : f32 to vector<8xf32>
    %convert_element_type3A_123 = arith.fptosi %broadcast_in_dim3A_122 : vector<8xf32> to vector<8xi32>
    %swap3A_124 = arith.constant 0 : index
    %swap3A_125 = vector.load %arg9[%swap3A_124] : memref<8xi32, #tpu.memory_space<vmem>>, vector<8xi32>
    tpu.vector_store %arg9[%swap3A_124], %convert_element_type3A_123 {strides = array<i32>} : memref<8xi32, #tpu.memory_space<vmem>>, vector<8xi32>,
    return
  }
}

module attributes {stable_mosaic.version = 14 : i64} {
  func.func @_gmm_body(%arg0: i32, %arg1: memref<16xi32, #tpu.memory_space<smem>>, %arg2: memref<16xi32, #tpu.memory_space<smem>>, %arg3: memref<8xi32, #tpu.memory_space<smem>>, %arg4: memref<256x768xf32, #tpu.memory_space<vmem>>, %arg5: memref<1x768x1536xf32, #tpu.memory_space<vmem>>, %arg6: memref<1x768x768xf32, #tpu.memory_space<vmem>>, %arg7: memref<256x768xf32, #tpu.memory_space<vmem>>) attributes {dimension_semantics = [#tpu.dimension_semantics<arbitrary>], iteration_bounds = array<i64: 16>, scalar_prefetch = 3 : i64, scratch_operands = 0 : i64, tpu.core_type = #tpu.core_type<tc>, window_params = [{transform_indices = @transform_0, window_bounds = array<i64: 256, 768>}, {transform_indices = @transform_1, window_bounds = array<i64: 1, 768, 1536>}, {transform_indices = @transform_2, window_bounds = array<i64: 1, 768, 768>}, {transform_indices = @transform_3, window_bounds = array<i64: 256, 768>}]} {
    %get3A = arith.constant 0 : index
    %get3A_0 = memref.load %arg3[%get3A] : memref<8xi32, #tpu.memory_space<smem>>
    %lt3A = arith.cmpi slt, %arg0, %get3A_0 : i32
    %convert_element_type3A = arith.extui %lt3A : i1 to i32
    %cond3A = arith.constant 0 : i32
    %cond3A_1 = arith.cmpi ne, %convert_element_type3A, %cond3A : i32
    scf.if %cond3A_1 {
      %get3A_2 = arith.constant 0 : index
      %get3A_3 = arith.constant 0 : index
      %get3A_4 = vector.load %arg4[%get3A_2, %get3A_3] : memref<256x768xf32, #tpu.memory_space<vmem>>, vector<256x768xf32>
      %convert_element_type3A_5 = arith.truncf %get3A_4 : vector<256x768xf32> to vector<256x768xbf16>
      %get3A_6 = arith.constant 0 : index
      %get3A_7 = arith.constant 0 : index
      %get3A_8 = arith.constant 0 : index
      %get3A_9 = vector.load %arg5[%get3A_6, %get3A_7, %get3A_8] : memref<1x768x1536xf32, #tpu.memory_space<vmem>>, vector<1x768x1536xf32>
      %get3A_10 = vector.shape_cast %get3A_9 : vector<1x768x1536xf32> to vector<768x1536xf32>
      %convert_element_type3A_11 = arith.truncf %get3A_10 : vector<768x1536xf32> to vector<768x1536xbf16>
      %dot_general3A = arith.constant dense<0.000000e+00> : vector<256x1536xf32>
      %dot_general3A_12 = tpu.matmul %convert_element_type3A_5, %convert_element_type3A_11, %dot_general3A {dimension_numbers = #tpu.dot_dimension_numbers<[1], [0], [0], [1], [0, 0, 1, 1], [], []>, transpose_lhs_hint = false} : vector<256x768xbf16>, vector<768x1536xbf16>, vector<256x1536xf32> -> vector<256x1536xf32>
      %slice3A = vector.extract_strided_slice %dot_general3A_12 {offsets = [0, 0], sizes = [256, 768], strides = [1, 1]} : vector<256x1536xf32> to vector<256x768xf32>
      %slice3A_13 = vector.extract_strided_slice %dot_general3A_12 {offsets = [0, 768], sizes = [256, 768], strides = [1, 1]} : vector<256x1536xf32> to vector<256x768xf32>
      %logistic3A = arith.negf %slice3A : vector<256x768xf32>
      %logistic3A_14 = math.exp %logistic3A : vector<256x768xf32>
      %logistic3A_15 = arith.constant 1.000000e+00 : f32
      %logistic3A_16 = vector.broadcast %logistic3A_15 : f32 to vector<256x768xf32>
      %logistic3A_17 = arith.addf %logistic3A_16, %logistic3A_14 : vector<256x768xf32>
      %logistic3A_18 = arith.divf %logistic3A_16, %logistic3A_17 : vector<256x768xf32>
      %mul3A = arith.mulf %slice3A, %logistic3A_18 : vector<256x768xf32>
      %mul3A_19 = arith.mulf %mul3A, %slice3A_13 : vector<256x768xf32>
      %convert_element_type3A_20 = arith.truncf %mul3A_19 : vector<256x768xf32> to vector<256x768xbf16>
      %get3A_21 = arith.constant 0 : index
      %get3A_22 = arith.constant 0 : index
      %get3A_23 = arith.constant 0 : index
      %get3A_24 = vector.load %arg6[%get3A_21, %get3A_22, %get3A_23] : memref<1x768x768xf32, #tpu.memory_space<vmem>>, vector<1x768x768xf32>
      %get3A_25 = vector.shape_cast %get3A_24 : vector<1x768x768xf32> to vector<768x768xf32>
      %convert_element_type3A_26 = arith.truncf %get3A_25 : vector<768x768xf32> to vector<768x768xbf16>
      %dot_general3A_27 = arith.constant dense<0.000000e+00> : vector<256x768xf32>
      %dot_general3A_28 = tpu.matmul %convert_element_type3A_20, %convert_element_type3A_26, %dot_general3A_27 {dimension_numbers = #tpu.dot_dimension_numbers<[1], [0], [0], [1], [0, 0, 1, 1], [], []>, transpose_lhs_hint = false} : vector<256x768xbf16>, vector<768x768xbf16>, vector<256x768xf32> -> vector<256x768xf32>
      %swap3A = arith.constant 0 : index
      %swap3A_29 = arith.constant 0 : index
      %swap3A_30 = vector.load %arg7[%swap3A, %swap3A_29] : memref<256x768xf32, #tpu.memory_space<vmem>>, vector<256x768xf32>
      tpu.vector_store %arg7[%swap3A, %swap3A_29], %dot_general3A_28 {strides = array<i32>} : memref<256x768xf32, #tpu.memory_space<vmem>>, vector<256x768xf32>,
    } else {
    }
    return
  }
  func.func @transform_0(%arg0: i32, %arg1: memref<16xi32, #tpu.memory_space<smem>>, %arg2: memref<16xi32, #tpu.memory_space<smem>>, %arg3: memref<8xi32, #tpu.memory_space<smem>>) -> (i32, i32) {
    %get3A = arith.index_cast %arg0 : i32 to index
    %get3A_0 = memref.load %arg2[%get3A] : memref<16xi32, #tpu.memory_space<smem>>
    %c0_i32 = arith.constant 0 : i32
    %c0_i32_1 = arith.constant 0 : i32
    return %get3A_0, %c0_i32 : i32, i32
  }
  func.func @transform_1(%arg0: i32, %arg1: memref<16xi32, #tpu.memory_space<smem>>, %arg2: memref<16xi32, #tpu.memory_space<smem>>, %arg3: memref<8xi32, #tpu.memory_space<smem>>) -> (i32, i32, i32) {
    %get3A = arith.index_cast %arg0 : i32 to index
    %get3A_0 = memref.load %arg1[%get3A] : memref<16xi32, #tpu.memory_space<smem>>
    %c0_i32 = arith.constant 0 : i32
    %c0_i32_1 = arith.constant 0 : i32
    %c0_i32_2 = arith.constant 0 : i32
    return %get3A_0, %c0_i32, %c0_i32_1 : i32, i32, i32
  }
  func.func @transform_2(%arg0: i32, %arg1: memref<16xi32, #tpu.memory_space<smem>>, %arg2: memref<16xi32, #tpu.memory_space<smem>>, %arg3: memref<8xi32, #tpu.memory_space<smem>>) -> (i32, i32, i32) {
    %get3A = arith.index_cast %arg0 : i32 to index
    %get3A_0 = memref.load %arg1[%get3A] : memref<16xi32, #tpu.memory_space<smem>>
    %c0_i32 = arith.constant 0 : i32
    %c0_i32_1 = arith.constant 0 : i32
    %c0_i32_2 = arith.constant 0 : i32
    return %get3A_0, %c0_i32, %c0_i32_1 : i32, i32, i32
  }
  func.func @transform_3(%arg0: i32, %arg1: memref<16xi32, #tpu.memory_space<smem>>, %arg2: memref<16xi32, #tpu.memory_space<smem>>, %arg3: memref<8xi32, #tpu.memory_space<smem>>) -> (i32, i32) {
    %get3A = arith.index_cast %arg0 : i32 to index
    %get3A_0 = memref.load %arg2[%get3A] : memref<16xi32, #tpu.memory_space<smem>>
    %c0_i32 = arith.constant 0 : i32
    %c0_i32_1 = arith.constant 0 : i32
    return %get3A_0, %c0_i32 : i32, i32
  }
}

module attributes {stable_mosaic.version = 14 : i64} {
  func.func @_combine_body(%arg0: i32, %arg1: memref<512x768xf32, #tpu.memory_space<vmem>>, %arg2: memref<512x768xf32, #tpu.memory_space<vmem>>, %arg3: memref<512x1xf32, #tpu.memory_space<vmem>>, %arg4: memref<512x1xf32, #tpu.memory_space<vmem>>, %arg5: memref<512x768xf32, #tpu.memory_space<vmem>>) attributes {dimension_semantics = [#tpu.dimension_semantics<arbitrary>], iteration_bounds = array<i64: 2>, scalar_prefetch = 0 : i64, scratch_operands = 0 : i64, tpu.core_type = #tpu.core_type<tc>, window_params = [{transform_indices = @transform_0, window_bounds = array<i64: 512, 768>}, {transform_indices = @transform_1, window_bounds = array<i64: 512, 768>}, {transform_indices = @transform_2, window_bounds = array<i64: 512, 1>}, {transform_indices = @transform_3, window_bounds = array<i64: 512, 1>}, {transform_indices = @transform_4, window_bounds = array<i64: 512, 768>}]} {
    %get3A = arith.constant 0 : index
    %get3A_0 = arith.constant 0 : index
    %get3A_1 = vector.load %arg1[%get3A, %get3A_0] : memref<512x768xf32, #tpu.memory_space<vmem>>, vector<512x768xf32>
    %get3A_2 = arith.constant 0 : index
    %get3A_3 = arith.constant 0 : index
    %get3A_4 = vector.load %arg3[%get3A_2, %get3A_3] : memref<512x1xf32, #tpu.memory_space<vmem>>, vector<512x1xf32>
    %mul3A = vector.broadcast %get3A_4 : vector<512x1xf32> to vector<512x768xf32>
    %mul3A_5 = arith.mulf %get3A_1, %mul3A : vector<512x768xf32>
    %get3A_6 = arith.constant 0 : index
    %get3A_7 = arith.constant 0 : index
    %get3A_8 = vector.load %arg2[%get3A_6, %get3A_7] : memref<512x768xf32, #tpu.memory_space<vmem>>, vector<512x768xf32>
    %get3A_9 = arith.constant 0 : index
    %get3A_10 = arith.constant 0 : index
    %get3A_11 = vector.load %arg4[%get3A_9, %get3A_10] : memref<512x1xf32, #tpu.memory_space<vmem>>, vector<512x1xf32>
    %mul3A_12 = vector.broadcast %get3A_11 : vector<512x1xf32> to vector<512x768xf32>
    %mul3A_13 = arith.mulf %get3A_8, %mul3A_12 : vector<512x768xf32>
    %add3A = arith.addf %mul3A_5, %mul3A_13 : vector<512x768xf32>
    %swap3A = arith.constant 0 : index
    %swap3A_14 = arith.constant 0 : index
    %swap3A_15 = vector.load %arg5[%swap3A, %swap3A_14] : memref<512x768xf32, #tpu.memory_space<vmem>>, vector<512x768xf32>
    tpu.vector_store %arg5[%swap3A, %swap3A_14], %add3A {strides = array<i32>} : memref<512x768xf32, #tpu.memory_space<vmem>>, vector<512x768xf32>,
    return
  }
  func.func @transform_0(%arg0: i32) -> (i32, i32) {
    %c0_i32 = arith.constant 0 : i32
    %c0_i32_0 = arith.constant 0 : i32
    return %arg0, %c0_i32 : i32, i32
  }
  func.func @transform_1(%arg0: i32) -> (i32, i32) {
    %c0_i32 = arith.constant 0 : i32
    %c0_i32_0 = arith.constant 0 : i32
    return %arg0, %c0_i32 : i32, i32
  }
  func.func @transform_2(%arg0: i32) -> (i32, i32) {
    %c0_i32 = arith.constant 0 : i32
    %c0_i32_0 = arith.constant 0 : i32
    return %arg0, %c0_i32 : i32, i32
  }
  func.func @transform_3(%arg0: i32) -> (i32, i32) {
    %c0_i32 = arith.constant 0 : i32
    %c0_i32_0 = arith.constant 0 : i32
    return %arg0, %c0_i32 : i32, i32
  }
  func.func @transform_4(%arg0: i32) -> (i32, i32) {
    %c0_i32 = arith.constant 0 : i32
    %c0_i32_0 = arith.constant 0 : i32
    return %arg0, %c0_i32 : i32, i32
  }
}

</mosaic_0001>

<sc_bundles>
// kernel: kernel.12.cloned.1.call-start
scs
__scs_entry_jumppad:
0x0: {  	(pc) =	sbr.rel $0x88, $3  }
0x1: {  	(tag) =	ssettag $0x0;
	lr =	simm.s32 $0x1  }
0x2: {  	[smem:$0x3F9D] =	sst lr;
	_ =	strace $0xD0000000  }
0x3: {  	_ = 	snop  }
0x4: {  	_ = 	snop  }
0x5: {  	_ = 	snop  }
0x6: {  	_ = 	snop  }
0x7: {  	_ = 	snop  }
__scs_overlays_trampoline_lowered:
0x8: {  	[smem:$0x3FAC] =	sst s0  }
0x9: {  	[smem:$0x3FAD] =	sst s1  }
0xa: {  	[smem:$0x3FAE] =	sst s2  }
0xb: {  	[smem:$0x3FAF] =	sst s3  }
0xc: {  	[smem:$0x3FB0] =	sst s4  }
0xd: {  	[smem:$0x3FB1] =	sst s5  }
0xe: {  	[smem:$0x3FB2] =	sst s6  }
0xf: {  	[smem:$0x3FB3] =	sst s7  }
0x10: {  	[smem:$0x3FB4] =	sst s8  }
0x11: {  	[smem:$0x3FB5] =	sst s9;
	s0 =	simm.s32 @!p0 $0x0  }
0x12: {  	s1 =	sld [smem:$0x3F9B];
	s0 =	simm.s32 @p0 $0x1  }
0x13: {  	[smem:$0x3FB6] =	sst s0;
	s0 =	simm.s32 @!p1 $0x0  }
0x14: {  	s2 =	sld [smem:$0x3F9A];
	s0 =	simm.s32 @p1 $0x1  }
0x15: {  	[smem:$0x3FB7] =	sst s0;
	s0 =	simm.s32 @!p2 $0x0  }
0x16: {  	s3 =	sld [smem:$0x3FDB];
	s0 =	simm.s32 @p2 $0x1  }
0x17: {  	s4 =	simm.s32 $0x1BF5;
	[smem:$0x3FB9] =	sst s0  }
0x18: {  	s0 =	sld [smem:$0x3F9C];
	_ =	swait.ge [sflag:s4], $0x0  }
0x19: {  	s7 =	sld [smem:$0x3F9D]  }
0x1a: {  	s8 =	sadd.s32 $0xFFFFE003, lr  }
0x1b: {  	s9 =	sadd.s32 $0xFFFFFEF7, lr;
	s5 =	simm.s32 $0xFFFFFFFF;
	p2 =	slt.u32 s8, $0xFFFFF086  }
0x1c: {  	p1 =	slt.u32 s9, $0xF7A;
	s5 =	simm.s32 @!p2 $0x0  }
0x1d: {  	s5 =	simm.s32 @p1 $0x1;
	p0 =	seq.s32 s7, s2  }
0x1e: {  	s7 =	smul.u32 @!p0 $0xF7A, s2;
	p2 =	seq.s32 @!p0 s5, $0x0  }
0x1f: {  	s9 =	smul.u32 $0xF7A, s1;
	s8 =	simm.s32 @!p0 $0x1BF5;
	p2 =	por !p2, p0  }
0x20: {  	[sflag:s8] =	ssyncset.s32 @!p0 $0xFFFFF086;
	s6 =	sadd.s32 @!p0 s3, s7;
	s7 =	simm.s32 @!p0 $0x108  }
0x21: {  	s3 =	sadd.s32 s3, s9;
	s6 =	sadd.s32 @!p0 $0x88, s6;
	s7 =	simm.s32 @p2 $0x1082  }
0x22: {  	[simem:s7], [sflag:s8] =	dma.local @!p0 [hbm:s6], $0xF7A  }
0x23: {  	s9 =	sor.u32 $0xD0000000, s2;
	s6 =	simm.s32 $0x108;
	_ =	swait.ge @!p0 [sflag:s8], $0x0  }
0x24: {  	s3 =	sadd.s32 $0x88, s3;
	s6 =	simm.s32 @!p1 $0x1082;
	[sflag:s4] =	ssyncset.s32 $0xFFFFF086  }
0x25: {  	[simem:s6], [sflag:s4] =	dma.local [hbm:s3], $0xF7A  }
0x26: {  	[smem:$0x3F9D] =	sst s1;
	(tag) =	ssettag s2;
	_ =	strace s9  }
0x27: {  	s1 =	sld [smem:$0x3FAD]  }
0x28: {  	s2 =	sld [smem:$0x3FAE]  }
0x29: {  	s4 =	sld [smem:$0x3FB0]  }
0x2a: {  	p0 =	seq.s32 s5, $0x0;
	s5 =	sld [smem:$0x3FB1]  }
0x2b: {  	s6 =	sld [smem:$0x3FB2]  }
0x2c: {  	s7 =	sld [smem:$0x3FB3]  }
0x2d: {  	s3 =	simm.s32 $0x108;
	s8 =	sld [smem:$0x3FB4]  }
0x2e: {  	s3 =	simm.s32 @!p0 $0x1082;
	s9 =	sld [smem:$0x3FB5]  }
0x2f: {  	lr =	sadd.s32 s0, s3;
	s0 =	sld [smem:$0x3FAC]  }
0x30: {  	s3 =	sld [smem:$0x3FAF]  }
0x31: {  	[smem:$0x3FB8] =	sst s10  }
0x32: {  	s10 =	sld [smem:$0x3FB6];
	_ =	sdelay $0x3  }
0x33: {  	p0 =	seq.s32 s10, $0x1;
	s10 =	sld [smem:$0x3FB8];
	_ =	sdelay $0x3  }
0x34: {  	[smem:$0x3FB8] =	sst s10  }
0x35: {  	s10 =	sld [smem:$0x3FB7];
	_ =	sdelay $0x3  }
0x36: {  	p1 =	seq.s32 s10, $0x1;
	s10 =	sld [smem:$0x3FB8];
	_ =	sdelay $0x3  }
0x37: {  	[smem:$0x3FB8] =	sst s10  }
0x38: {  	s10 =	sld [smem:$0x3FB9]  }
0x39: {  	_ = 	snop;
	(pc) =	sbr.ind lr, $3  }
0x3a: {  	_ = 	snop  }
0x3b: {  	_ = 	snop  }
0x3c: {  	p2 =	seq.s32 s10, $0x1;
	s10 =	sld [smem:$0x3FB8]  }
0x3d: {  	_ =	shalt  }
0x3e: {  	_ =	shalt  }
0x3f: {  	_ =	shalt  }
0x40: {  	_ =	shalt  }
0x41: {  	_ =	shalt  }
0x42: {  	_ =	shalt  }
0x43: {  	_ =	shalt  }
0x44: {  	_ =	shalt  }
0x45: {  	_ =	shalt  }
0x46: {  	_ =	shalt  }
0x47: {  	_ =	shalt  }
0x48: {  	_ =	shalt  }
0x49: {  	_ =	shalt  }
0x4a: {  	_ =	shalt  }
0x4b: {  	_ =	shalt  }
0x4c: {  	_ =	shalt  }
0x4d: {  	_ =	shalt  }
0x4e: {  	_ =	shalt  }
0x4f: {  	_ =	shalt  }
0x50: {  	_ =	shalt  }
0x51: {  	_ =	shalt  }
0x52: {  	_ =	shalt  }
0x53: {  	_ =	shalt  }
0x54: {  	_ =	shalt  }
0x55: {  	_ =	shalt  }
0x56: {  	_ =	shalt  }
0x57: {  	_ =	shalt  }
0x58: {  	_ =	shalt  }
0x59: {  	_ =	shalt  }
0x5a: {  	_ =	shalt  }
0x5b: {  	_ =	shalt  }
0x5c: {  	_ =	shalt  }
0x5d: {  	_ =	shalt  }
0x5e: {  	_ =	shalt  }
0x5f: {  	_ =	shalt  }
0x60: {  	_ =	shalt  }
0x61: {  	_ =	shalt  }
0x62: {  	_ =	shalt  }
0x63: {  	_ =	shalt  }
0x64: {  	_ =	shalt  }
0x65: {  	_ =	shalt  }
0x66: {  	_ =	shalt  }
0x67: {  	_ =	shalt  }
0x68: {  	_ =	shalt  }
0x69: {  	_ =	shalt  }
0x6a: {  	_ =	shalt  }
0x6b: {  	_ =	shalt  }
0x6c: {  	_ =	shalt  }
0x6d: {  	_ =	shalt  }
0x6e: {  	_ =	shalt  }
0x6f: {  	_ =	shalt  }
0x70: {  	_ =	shalt  }
0x71: {  	_ =	shalt  }
0x72: {  	_ =	shalt  }
0x73: {  	_ =	shalt  }
0x74: {  	_ =	shalt  }
0x75: {  	_ =	shalt  }
0x76: {  	_ =	shalt  }
0x77: {  	_ =	shalt  }
0x78: {  	_ =	shalt  }
0x79: {  	_ =	shalt  }
0x7a: {  	_ =	shalt  }
0x7b: {  	_ =	shalt  }
0x7c: {  	_ =	shalt  }
0x7d: {  	_ =	shalt  }
0x7e: {  	_ =	shalt  }
0x7f: {  	_ =	shalt  }
0x80: {  	_ =	shalt  }
0x81: {  	_ =	shalt  }
0x82: {  	_ =	shalt  }
0x83: {  	_ =	shalt  }
0x84: {  	_ =	shalt  }
0x85: {  	_ =	shalt  }
0x86: {  	_ =	shalt  }
0x87: {  	_ =	shalt  }
.Lfunc_end0:
.L_simem_size_0:
called_computation_lowered:
.L_overlay_start_0:
0x88: {  	s2 =	sld [smem:$0x3FD9]  }
0x89: {  	s3 =	sld [smem:$0x3FFE];
	_ =	sdelay $0x1  }
0x8a: {  	s1 =	srdreg.scid  }
0x8b: {  	s0 =	sand.u32 $0x1, s1  }
0x8c: {  	s16 =	sshll.u32 s0, $0xA;
	s2 =	sadd.s32 s3, s2  }
0x8d: {  	s2 =	sadd.s32 s2, s16  }
0x8e: {  	[smem:$0x3FC4] =	sst s2  }
0x8f: {  	_ = 	snop  }
0x90: {  	(tm) =	ssettm $0x1  }
0x91: {  	s17 =	sld [smem:$0x3FFB];
	_ =	sdelay $0x3  }
0x92: {  	_ =	strace s17  }
0x93: {  	s2 =	sld [smem:$0x3FFC];
	_ =	sdelay $0x3  }
0x94: {  	_ =	strace s2  }
0x95: {  	s2 =	sld [smem:$0x3FFD];
	_ =	sdelay $0x3  }
0x96: {  	_ =	strace s2  }
0x97: {  	_ =	strace $0x8FFFFFFF  }
0x98: {  	s18 =	sld [smem:$0x3FDB];
	_ =	sdelay $0x1  }
0x99: {  	s19 =	simm.s32 $_scs_section_size  }
0x9a: {  	s4 =	simm.s32 $_size__tile_overlayer_lowered;
	s5 =	simm.s32 $_tile_overlayer_lowered  }
0x9b: {  	s22 =	simm.s32 $0x1BFF;
	s21 =	sshll.u32 s5, $0x1;
	s2 =	sadd.s32 s19, s18  }
0x9c: {  	s6 =	simm.s32 $0x0;
	s20 =	sshll.u32 s4, $0x1;
	s4 =	sadd.s32 s21, s2  }
0x9d: {  	[timem:s6], [sflag:s22] =	dma.local [hbm:s4], s20  }
0x9e: {  	_ =	swait.ge [sflag:s22], s20  }
0x9f: {  	s3 =	ssub.s32 $0x0, s20;
	[sflag:s22] =	ssyncset.done $0x0  }
0xa0: {  	[sflag:s22] =	ssyncadd.s32 s3;
	_ =	sdelay $0x1  }
0xa1: {  	s23 =	simm.s32 $0x1B8B  }
0xa2: {  	_ =	swait.ge [sflag:s23], $0x1  }
0xa3: {  	[sflag:s23] =	ssyncset.done $0x0  }
0xa4: {  	s25 =	simm.s32 $0x1B8E;
	s24 =	sld [smem:$0x3FFE];
	[sflag:s23] =	ssyncadd.s32 $0xFFFFFFFF  }
0xa5: {  	s26 =	simm.s32 $execute0_lowered;
	[smem:$0x3FD2] =	sst s25  }
0xa6: {  	s4 =	sshll.u32 s26, $0x1;
	_ =	strace $0x80000046;
	[dreg:$0x1] =	wrdreg $0xFFFFFFFF  }
0xa7: {  	s28 =	simm.s32 $_size_execute0_lowered;
	s2 =	sadd.s32 s2, s4;
	[dreg:$0x0] =	wrdreg $0x0  }
0xa8: {  	s4 =	sshll.u32 s28, $0x1;
	[dreg:$0x2] =	wrdreg s2  }
0xa9: {  	[dreg:$0x3] =	wrdreg s4  }
0xaa: {  	[dreg:$0x4] =	wrdreg $0xC0  }
0xab: {  	_ =	task [dreg:s6], $0x5FFFF  }
0xac: {  	[dreg:$0x1] =	wrdreg $0xFFFFFFFF  }
0xad: {  	[dreg:$0x0] =	wrdreg $0x60  }
0xae: {  	[dreg:$0x2] =	wrdreg s24  }
0xaf: {  	[dreg:$0x3] =	wrdreg $0xA  }
0xb0: {  	_ =	task.clear_ibuf [dreg:s6], $0x4FFFF;
	_ =	strace $0x90000046  }
0xb1: {  	s29 =	simm.s32 $0xA;
	_ =	strace $0x80000048  }
0xb2: {  	_ =	swait.ge [sflag:s29], $0x1  }
0xb3: {  	[sflag:s29] =	ssyncadd.s32 $0xFFFFFFFF  }
0xb4: {  	_ =	strace $0x90000048  }
0xb5: {  	_ =	sfence  }
0xb6: {  	s30 =	sld [smem:$0x0];
	_ =	sdelay $0x2  }
0xb7: {  	s31 =	sshll.u32 s1, $0xD;
	s1 =	sshrl.u32 s1, $0x2  }
0xb8: {  	s3 =	sand.u32 $0x4000, s31;
	s1 =	sadd.s32 s1, s30  }
0xb9: {  	s0 =	sor.u32 s3, s0;
	s1 =	sshll.u32 s1, $0x11  }
0xba: {  	s0 =	sor.u32 s1, s0  }
0xbb: {  	s0 =	sadd.s32 $0x8F2B, s0  }
0xbc: {  	[sflag:s0] =	ssyncadd.remote.s32 $0x1  }
0xbd: {  	_ =	sfence.sel $0xFFFF  }
0xbe: {  	[dreg:$0x0] =	wrdreg $0xFFFFFFFF;
	(pc) =	sbr.abs _section_cstart, $3  }
0xbf: {  	[dreg:$0x1] =	wrdreg $0xFFFFFFFF  }
0xc0: {  	_ =	task.clear_ibuf [dreg:s6], $0x2FFFF;
	_ =	strace $0x9FFFFFFF  }
0xc1: {  	(tm) =	ssettm $0x7FFFFFFF  }
tec
execute0_lowered:
.L_overlay_start_1:
0x0: {  	(tag) =	ssettag $0x1  }
0x1: {  	s1 =	srdreg.scid  }
0x2: {  	s0 =	stileid.u32;
	s8 =	rddreg [dreg:$0x0]  }
0x3: {  	s11 =	simm.s32 $0x80;
	s12 =	simm.s32 $0x100;
	s13 =	simm.s32 $0x900  }
0x4: {  	s14 =	simm.s32 $0x1100;
	s15 =	simm.s32 $0x1900;
	s16 =	simm.s32 $0x2100  }
0x5: {  	s17 =	simm.s32 $0x2900;
	s18 =	simm.s32 $0x3100;
	s19 =	simm.s32 $0x3900  }
0x6: {  	s20 =	simm.s32 $0x4100;
	s21 =	simm.s32 $0x4900;
	s22 =	simm.s32 $0x5100  }
0x7: {  	s23 =	simm.s32 $0x5900;
	s24 =	simm.s32 $0x1;
	s3 =	sand.u32 $0x1, s1  }
0x8: {  	s30 =	sshll.u32 s0, $0x3;
	s1 =	rddreg [dreg:$0x1];
	s2 =	sshll.u32 s3, $0x2  }
0x9: {  	s6 =	ssub.s32 $0x2, s3;
	s3 =	sadd.s32 $0x1C200, s8;
	s4 =	sor.u32 s2, s30  }
0xa: {  	s2 =	simm.s32 $0x0;
	s31 =	sshrl.u32 s6, $0x1;
	s5 =	smul.u32 $0x300, s4  }
0xb: {  	[smem:$0x7FF] =	sst s2;
	s9 =	sadd.s32 s4, s8;
	s10 =	ssub.s32 s6, s31  }
0xc: {  	v2 =	vlaneseq.u32;
	_ =	strace $0x80000047;
	s4 =	sadd.s32 $0x1BE00, s9;
	s7 =	sadd.s32 s5, s8  }
0xd: {  	vm0 =	vmmov $0xffff;
	v1 =	vshrl.u32 v2, $0x3;
	s5 =	sadd.s32 $0x1C000, s9;
	s9 =	smax.u32 s10, $0x1;
	s10 =	simm.s32 $0x2  }
0xe: {  	v0 =	vand.u32 $0x7, v2;
	v2 =	vor.u32 $0x8, v2;
	v1 =	vmul.u32 $0x8, v1;
	s6 =	sadd.s32 $0x3E00, s7;
	s7 =	sadd.s32 $0x1C300, s8;
	s8 =	sadd.s32 $0x1C400, s8  }
.LBB2_1:
0xf: {  	[tilespmem:s2], [sflag:$0x2] =	stream.linear.gather [hbm4b:s4+s2], $0x20, $0x38;
	[tilespmem:$0x6100] =	vst v63  }
0x10: {  	_ =	swait.ge [sflag:s10], $0x20  }
0x11: {  	[sflag:s10] =	ssyncset.done $0x0  }
0x12: {  	[sflag:s10] =	ssyncadd.s32 $0xFFFFFFE0  }
0x13: {  	[tilespmem:s11], [sflag:$0x2] =	stream.linear.gather [hbm4b:s5+s2], $0x20, $0x38;
	[tilespmem:$0x6100] =	vst v63  }
0x14: {  	_ =	swait.ge [sflag:s10], $0x20  }
0x15: {  	[sflag:s10] =	ssyncset.done $0x0  }
0x16: {  	[sflag:s10] =	ssyncadd.s32 $0xFFFFFFE0  }
0x17: {  	[tilespmem:s12], [sflag:$0x2] =	stream.linear.gather [hbm4b:s6+s2], $0x6000, $0x38;
	[tilespmem:$0x6100] =	vst v63  }
0x18: {  	_ =	swait.ge [sflag:s10], $0x6000  }
0x19: {  	[sflag:s10] =	ssyncset.done $0x0  }
0x1a: {  	[sflag:s10] =	ssyncadd.s32 $0xFFFFA000  }
0x1b: {  	v3 =	vld [tilespmem:$0x0];
	_ =	sdelay $0x4  }
0x1c: {  	v4 =	vshrl.u32 v3, $0x3  }
0x1d: {  	v4 =	vmul.u32 $0x30, v4  }
0x1e: {  	v3 =	vand.u32 $0x7, v3  }
0x1f: {  	v3 =	vor.u32 v3, v4  }
0x20: {  	v4 =	vperm.xlane v3, v0;
	_ =	sdelay $0x1  }
0x21: {  	v4 =	vadd.s32 v1, v4;
	_ =	sdelay $0x3  }
0x22: {  	v3 =	vperm.xlane v3, v2  }
0x23: {  	[hbm4b:s3+s2] =	stream.indirect_vreg.scatter [tilespmem:s12], [sflag:$0x1], $0x80, v4, vm0, $0xb8;
	[tilespmem:$0x6100] =	vst v63  }
0x24: {  	v3 =	vadd.s32 v1, v3  }
0x25: {  	[hbm4b:s7+s2] =	stream.indirect_vreg.scatter [tilespmem:s13], [sflag:$0x1], $0x80, v4, vm0, $0xb8;
	[tilespmem:$0x6100] =	vst v63  }
0x26: {  	_ = 	snop  }
0x27: {  	[hbm4b:s8+s2] =	stream.indirect_vreg.scatter [tilespmem:s14], [sflag:$0x1], $0x80, v4, vm0, $0xb8;
	[tilespmem:$0x6100] =	vst v63  }
0x28: {  	_ = 	snop  }
0x29: {  	[hbm4b:s3+s2] =	stream.indirect_vreg.scatter [tilespmem:s15], [sflag:$0x1], $0x80, v3, vm0, $0xb8;
	[tilespmem:$0x6100] =	vst v63  }
0x2a: {  	_ = 	snop  }
0x2b: {  	[hbm4b:s7+s2] =	stream.indirect_vreg.scatter [tilespmem:s16], [sflag:$0x1], $0x80, v3, vm0, $0xb8;
	[tilespmem:$0x6100] =	vst v63  }
0x2c: {  	_ = 	snop  }
0x2d: {  	[hbm4b:s8+s2] =	stream.indirect_vreg.scatter [tilespmem:s17], [sflag:$0x1], $0x80, v3, vm0, $0xb8;
	[tilespmem:$0x6100] =	vst v63  }
0x2e: {  	v3 =	vld [tilespmem:$0x10];
	_ =	sdelay $0x4  }
0x2f: {  	v61 =	vshrl.u32 v3, $0x3  }
0x30: {  	v4 =	vmul.u32 $0x30, v61  }
0x31: {  	v3 =	vand.u32 $0x7, v3  }
0x32: {  	v3 =	vor.u32 v3, v4  }
0x33: {  	v4 =	vperm.xlane v3, v0;
	_ =	sdelay $0x1  }
0x34: {  	v4 =	vadd.s32 v1, v4;
	_ =	sdelay $0x3  }
0x35: {  	v3 =	vperm.xlane v3, v2  }
0x36: {  	[hbm4b:s3+s2] =	stream.indirect_vreg.scatter [tilespmem:s18], [sflag:$0x1], $0x80, v4, vm0, $0xb8;
	[tilespmem:$0x6100] =	vst v63  }
0x37: {  	v3 =	vadd.s32 v1, v3  }
0x38: {  	[hbm4b:s7+s2] =	stream.indirect_vreg.scatter [tilespmem:s19], [sflag:$0x1], $0x80, v4, vm0, $0xb8;
	[tilespmem:$0x6100] =	vst v63  }
0x39: {  	_ = 	snop  }
0x3a: {  	[hbm4b:s8+s2] =	stream.indirect_vreg.scatter [tilespmem:s20], [sflag:$0x1], $0x80, v4, vm0, $0xb8;
	[tilespmem:$0x6100] =	vst v63  }
0x3b: {  	_ = 	snop  }
0x3c: {  	[hbm4b:s3+s2] =	stream.indirect_vreg.scatter [tilespmem:s21], [sflag:$0x1], $0x80, v3, vm0, $0xb8;
	[tilespmem:$0x6100] =	vst v63  }
0x3d: {  	_ = 	snop  }
0x3e: {  	[hbm4b:s7+s2] =	stream.indirect_vreg.scatter [tilespmem:s22], [sflag:$0x1], $0x80, v3, vm0, $0xb8;
	[tilespmem:$0x6100] =	vst v63  }
0x3f: {  	_ = 	snop  }
0x40: {  	[hbm4b:s8+s2] =	stream.indirect_vreg.scatter [tilespmem:s23], [sflag:$0x1], $0x80, v3, vm0, $0xb8;
	[tilespmem:$0x6100] =	vst v63  }
0x41: {  	v3 =	vld [tilespmem:$0x80];
	_ =	sdelay $0x4  }
0x42: {  	v62 =	vshrl.u32 v3, $0x3  }
0x43: {  	v4 =	vmul.u32 $0x30, v62  }
0x44: {  	v3 =	vand.u32 $0x7, v3  }
0x45: {  	v3 =	vor.u32 v3, v4  }
0x46: {  	v4 =	vperm.xlane v3, v0;
	_ =	sdelay $0x1  }
0x47: {  	v4 =	vadd.s32 v1, v4;
	_ =	sdelay $0x3  }
0x48: {  	v3 =	vperm.xlane v3, v2  }
0x49: {  	[hbm4b:s3+s2] =	stream.indirect_vreg.scatter [tilespmem:s12], [sflag:$0x1], $0x80, v4, vm0, $0xb8;
	[tilespmem:$0x6100] =	vst v63  }
0x4a: {  	v3 =	vadd.s32 v1, v3  }
0x4b: {  	[hbm4b:s7+s2] =	stream.indirect_vreg.scatter [tilespmem:s13], [sflag:$0x1], $0x80, v4, vm0, $0xb8;
	[tilespmem:$0x6100] =	vst v63  }
0x4c: {  	_ = 	snop  }
0x4d: {  	[hbm4b:s8+s2] =	stream.indirect_vreg.scatter [tilespmem:s14], [sflag:$0x1], $0x80, v4, vm0, $0xb8;
	[tilespmem:$0x6100] =	vst v63  }
0x4e: {  	_ = 	snop  }
0x4f: {  	[hbm4b:s3+s2] =	stream.indirect_vreg.scatter [tilespmem:s15], [sflag:$0x1], $0x80, v3, vm0, $0xb8;
	[tilespmem:$0x6100] =	vst v63  }
0x50: {  	_ = 	snop  }
0x51: {  	[hbm4b:s7+s2] =	stream.indirect_vreg.scatter [tilespmem:s16], [sflag:$0x1], $0x80, v3, vm0, $0xb8;
	[tilespmem:$0x6100] =	vst v63  }
0x52: {  	_ = 	snop  }
0x53: {  	[hbm4b:s8+s2] =	stream.indirect_vreg.scatter [tilespmem:s17], [sflag:$0x1], $0x80, v3, vm0, $0xb8;
	[tilespmem:$0x6100] =	vst v63  }
0x54: {  	v3 =	vld [tilespmem:$0x90];
	_ =	sdelay $0x4  }
0x55: {  	v63 =	vshrl.u32 v3, $0x3  }
0x56: {  	v4 =	vmul.u32 $0x30, v63  }
0x57: {  	v3 =	vand.u32 $0x7, v3  }
0x58: {  	v3 =	vor.u32 v3, v4  }
0x59: {  	v4 =	vperm.xlane v3, v0;
	_ =	sdelay $0x1  }
0x5a: {  	v4 =	vadd.s32 v1, v4;
	_ =	sdelay $0x3  }
0x5b: {  	v3 =	vperm.xlane v3, v2  }
0x5c: {  	[hbm4b:s3+s2] =	stream.indirect_vreg.scatter [tilespmem:s18], [sflag:$0x1], $0x80, v4, vm0, $0xb8;
	[tilespmem:$0x6100] =	vst v63  }
0x5d: {  	v3 =	vadd.s32 v1, v3  }
0x5e: {  	[hbm4b:s7+s2] =	stream.indirect_vreg.scatter [tilespmem:s19], [sflag:$0x1], $0x80, v4, vm0, $0xb8;
	[tilespmem:$0x6100] =	vst v63  }
0x5f: {  	_ = 	snop  }
0x60: {  	[hbm4b:s8+s2] =	stream.indirect_vreg.scatter [tilespmem:s20], [sflag:$0x1], $0x80, v4, vm0, $0xb8;
	[tilespmem:$0x6100] =	vst v63  }
0x61: {  	_ = 	snop  }
0x62: {  	[hbm4b:s3+s2] =	stream.indirect_vreg.scatter [tilespmem:s21], [sflag:$0x1], $0x80, v3, vm0, $0xb8;
	[tilespmem:$0x6100] =	vst v63  }
0x63: {  	_ = 	snop  }
0x64: {  	[hbm4b:s7+s2] =	stream.indirect_vreg.scatter [tilespmem:s22], [sflag:$0x1], $0x80, v3, vm0, $0xb8;
	[tilespmem:$0x6100] =	vst v63  }
0x65: {  	_ = 	snop  }
0x66: {  	[hbm4b:s8+s2] =	stream.indirect_vreg.scatter [tilespmem:s23], [sflag:$0x1], $0x80, v3, vm0, $0xb8;
	[tilespmem:$0x6100] =	vst v63  }
0x67: {  	p0 =	sne.s32 s9, $0x1;
	_ =	swait.ge [sflag:s24], $0x6000  }
.Ltmp0:
0x68: {  	[sflag:s24] =	ssyncset.done $0x0;
	(pc) =	sbr.rel @p0 .LBB2_1-.Ltmp0, $4  }
0x69: {  	[sflag:s24] =	ssyncadd.s32 $0xFFFFA000  }
0x6a: {  	_ =	swait.ge [sflag:s24], $0x6000  }
0x6b: {  	[sflag:s24] =	ssyncset.done $0x0  }
0x6c: {  	s9 =	sadd.s32 $0xFFFFFFFF, s9;
	[sflag:s24] =	ssyncadd.s32 $0xFFFFA000  }
0x6d: {  	_ =	sfence.sel $0x180000  }
0x6e: {  	[bflag:$0x0] =	sbarrier.arrive $0xFFFF  }
0x6f: {  	p0 =	sne.s32 s0, $0x0;
	_ =	strace $0x90000047  }
0x70: {  	s0 =	sadd.s32 @!p0 $0x100000, s1;
	[bflag:$0x2] =	sbarrier.arrive $0xFFFF  }
0x71: {  	[sflag:s0] =	ssyncadd.tile.s32 @!p0 $0x1;
	_ =	shalt  }
.Lfunc_end2:
_tile_overlayer_lowered:
.L_overlay_start_2:
0x72: {  	(tag) =	ssettag $0x2  }
0x73: {  	s0 =	rddreg [dreg:$0x0];
	s2 =	stileid.u32  }
0x74: {  	s1 =	rddreg [dreg:$0x1];
	p0 =	sne.s32 s2, $0x0  }
0x75: {  	s3 =	rddreg [dreg:$0x2];
	[bflag:$0x3] =	sbarrier.arrive $0xFFFF;
	s2 =	simm.s32 @!p0 $0x1C02  }
0x76: {  	[timem:s3], [sflag:s2] =	dma.local @!p0 [hbm:s0], s1  }
0x77: {  	s0 =	simm.s32 @!p0 $0x2  }
0x78: {  	_ =	swait.ge @!p0 [sflag:s0], s1  }
0x79: {  	s1 =	ssub.s32 @!p0 $0x0, s1;
	[sflag:s0] =	ssyncset.done @!p0 $0x0  }
0x7a: {  	[sflag:s0] =	ssyncadd.s32 @!p0 s1  }
0x7b: {  	[bflag:$0x3] =	sbarrier.arrive $0xFFFF  }
0x7c: {  	_ =	shalt  }

// kernel: kernel.15.cloned.1.call-start
scs
__scs_entry_jumppad:
0x0: {  	(pc) =	sbr.rel $0x88, $3  }
0x1: {  	(tag) =	ssettag $0x0;
	lr =	simm.s32 $0x1  }
0x2: {  	[smem:$0x3F9D] =	sst lr;
	_ =	strace $0xD0000000  }
0x3: {  	_ = 	snop  }
0x4: {  	_ = 	snop  }
0x5: {  	_ = 	snop  }
0x6: {  	_ = 	snop  }
0x7: {  	_ = 	snop  }
__scs_overlays_trampoline_lowered:
0x8: {  	[smem:$0x3FAC] =	sst s0  }
0x9: {  	[smem:$0x3FAD] =	sst s1  }
0xa: {  	[smem:$0x3FAE] =	sst s2  }
0xb: {  	[smem:$0x3FAF] =	sst s3  }
0xc: {  	[smem:$0x3FB0] =	sst s4  }
0xd: {  	[smem:$0x3FB1] =	sst s5  }
0xe: {  	[smem:$0x3FB2] =	sst s6  }
0xf: {  	[smem:$0x3FB3] =	sst s7  }
0x10: {  	[smem:$0x3FB4] =	sst s8  }
0x11: {  	[smem:$0x3FB5] =	sst s9;
	s0 =	simm.s32 @!p0 $0x0  }
0x12: {  	s1 =	sld [smem:$0x3F9B];
	s0 =	simm.s32 @p0 $0x1  }
0x13: {  	[smem:$0x3FB6] =	sst s0;
	s0 =	simm.s32 @!p1 $0x0  }
0x14: {  	s2 =	sld [smem:$0x3F9A];
	s0 =	simm.s32 @p1 $0x1  }
0x15: {  	[smem:$0x3FB7] =	sst s0;
	s0 =	simm.s32 @!p2 $0x0  }
0x16: {  	s3 =	sld [smem:$0x3FDB];
	s0 =	simm.s32 @p2 $0x1  }
0x17: {  	s4 =	simm.s32 $0x1BF5;
	[smem:$0x3FB9] =	sst s0  }
0x18: {  	s0 =	sld [smem:$0x3F9C];
	_ =	swait.ge [sflag:s4], $0x0  }
0x19: {  	s7 =	sld [smem:$0x3F9D]  }
0x1a: {  	s8 =	sadd.s32 $0xFFFFE003, lr  }
0x1b: {  	s9 =	sadd.s32 $0xFFFFFEF7, lr;
	s5 =	simm.s32 $0xFFFFFFFF;
	p2 =	slt.u32 s8, $0xFFFFF086  }
0x1c: {  	p1 =	slt.u32 s9, $0xF7A;
	s5 =	simm.s32 @!p2 $0x0  }
0x1d: {  	s5 =	simm.s32 @p1 $0x1;
	p0 =	seq.s32 s7, s2  }
0x1e: {  	s7 =	smul.u32 @!p0 $0xF7A, s2;
	p2 =	seq.s32 @!p0 s5, $0x0  }
0x1f: {  	s9 =	smul.u32 $0xF7A, s1;
	s8 =	simm.s32 @!p0 $0x1BF5;
	p2 =	por !p2, p0  }
0x20: {  	[sflag:s8] =	ssyncset.s32 @!p0 $0xFFFFF086;
	s6 =	sadd.s32 @!p0 s3, s7;
	s7 =	simm.s32 @!p0 $0x108  }
0x21: {  	s3 =	sadd.s32 s3, s9;
	s6 =	sadd.s32 @!p0 $0x88, s6;
	s7 =	simm.s32 @p2 $0x1082  }
0x22: {  	[simem:s7], [sflag:s8] =	dma.local @!p0 [hbm:s6], $0xF7A  }
0x23: {  	s9 =	sor.u32 $0xD0000000, s2;
	s6 =	simm.s32 $0x108;
	_ =	swait.ge @!p0 [sflag:s8], $0x0  }
0x24: {  	s3 =	sadd.s32 $0x88, s3;
	s6 =	simm.s32 @!p1 $0x1082;
	[sflag:s4] =	ssyncset.s32 $0xFFFFF086  }
0x25: {  	[simem:s6], [sflag:s4] =	dma.local [hbm:s3], $0xF7A  }
0x26: {  	[smem:$0x3F9D] =	sst s1;
	(tag) =	ssettag s2;
	_ =	strace s9  }
0x27: {  	s1 =	sld [smem:$0x3FAD]  }
0x28: {  	s2 =	sld [smem:$0x3FAE]  }
0x29: {  	s4 =	sld [smem:$0x3FB0]  }
0x2a: {  	p0 =	seq.s32 s5, $0x0;
	s5 =	sld [smem:$0x3FB1]  }
0x2b: {  	s6 =	sld [smem:$0x3FB2]  }
0x2c: {  	s7 =	sld [smem:$0x3FB3]  }
0x2d: {  	s3 =	simm.s32 $0x108;
	s8 =	sld [smem:$0x3FB4]  }
0x2e: {  	s3 =	simm.s32 @!p0 $0x1082;
	s9 =	sld [smem:$0x3FB5]  }
0x2f: {  	lr =	sadd.s32 s0, s3;
	s0 =	sld [smem:$0x3FAC]  }
0x30: {  	s3 =	sld [smem:$0x3FAF]  }
0x31: {  	[smem:$0x3FB8] =	sst s10  }
0x32: {  	s10 =	sld [smem:$0x3FB6];
	_ =	sdelay $0x3  }
0x33: {  	p0 =	seq.s32 s10, $0x1;
	s10 =	sld [smem:$0x3FB8];
	_ =	sdelay $0x3  }
0x34: {  	[smem:$0x3FB8] =	sst s10  }
0x35: {  	s10 =	sld [smem:$0x3FB7];
	_ =	sdelay $0x3  }
0x36: {  	p1 =	seq.s32 s10, $0x1;
	s10 =	sld [smem:$0x3FB8];
	_ =	sdelay $0x3  }
0x37: {  	[smem:$0x3FB8] =	sst s10  }
0x38: {  	s10 =	sld [smem:$0x3FB9]  }
0x39: {  	_ = 	snop;
	(pc) =	sbr.ind lr, $3  }
0x3a: {  	_ = 	snop  }
0x3b: {  	_ = 	snop  }
0x3c: {  	p2 =	seq.s32 s10, $0x1;
	s10 =	sld [smem:$0x3FB8]  }
0x3d: {  	_ =	shalt  }
0x3e: {  	_ =	shalt  }
0x3f: {  	_ =	shalt  }
0x40: {  	_ =	shalt  }
0x41: {  	_ =	shalt  }
0x42: {  	_ =	shalt  }
0x43: {  	_ =	shalt  }
0x44: {  	_ =	shalt  }
0x45: {  	_ =	shalt  }
0x46: {  	_ =	shalt  }
0x47: {  	_ =	shalt  }
0x48: {  	_ =	shalt  }
0x49: {  	_ =	shalt  }
0x4a: {  	_ =	shalt  }
0x4b: {  	_ =	shalt  }
0x4c: {  	_ =	shalt  }
0x4d: {  	_ =	shalt  }
0x4e: {  	_ =	shalt  }
0x4f: {  	_ =	shalt  }
0x50: {  	_ =	shalt  }
0x51: {  	_ =	shalt  }
0x52: {  	_ =	shalt  }
0x53: {  	_ =	shalt  }
0x54: {  	_ =	shalt  }
0x55: {  	_ =	shalt  }
0x56: {  	_ =	shalt  }
0x57: {  	_ =	shalt  }
0x58: {  	_ =	shalt  }
0x59: {  	_ =	shalt  }
0x5a: {  	_ =	shalt  }
0x5b: {  	_ =	shalt  }
0x5c: {  	_ =	shalt  }
0x5d: {  	_ =	shalt  }
0x5e: {  	_ =	shalt  }
0x5f: {  	_ =	shalt  }
0x60: {  	_ =	shalt  }
0x61: {  	_ =	shalt  }
0x62: {  	_ =	shalt  }
0x63: {  	_ =	shalt  }
0x64: {  	_ =	shalt  }
0x65: {  	_ =	shalt  }
0x66: {  	_ =	shalt  }
0x67: {  	_ =	shalt  }
0x68: {  	_ =	shalt  }
0x69: {  	_ =	shalt  }
0x6a: {  	_ =	shalt  }
0x6b: {  	_ =	shalt  }
0x6c: {  	_ =	shalt  }
0x6d: {  	_ =	shalt  }
0x6e: {  	_ =	shalt  }
0x6f: {  	_ =	shalt  }
0x70: {  	_ =	shalt  }
0x71: {  	_ =	shalt  }
0x72: {  	_ =	shalt  }
0x73: {  	_ =	shalt  }
0x74: {  	_ =	shalt  }
0x75: {  	_ =	shalt  }
0x76: {  	_ =	shalt  }
0x77: {  	_ =	shalt  }
0x78: {  	_ =	shalt  }
0x79: {  	_ =	shalt  }
0x7a: {  	_ =	shalt  }
0x7b: {  	_ =	shalt  }
0x7c: {  	_ =	shalt  }
0x7d: {  	_ =	shalt  }
0x7e: {  	_ =	shalt  }
0x7f: {  	_ =	shalt  }
0x80: {  	_ =	shalt  }
0x81: {  	_ =	shalt  }
0x82: {  	_ =	shalt  }
0x83: {  	_ =	shalt  }
0x84: {  	_ =	shalt  }
0x85: {  	_ =	shalt  }
0x86: {  	_ =	shalt  }
0x87: {  	_ =	shalt  }
.Lfunc_end0:
.L_simem_size_0:
called_computation.1_lowered:
.L_overlay_start_0:
0x88: {  	s2 =	sld [smem:$0x3FD9]  }
0x89: {  	s3 =	sld [smem:$0x3FFE];
	_ =	sdelay $0x1  }
0x8a: {  	s1 =	srdreg.scid  }
0x8b: {  	s0 =	sand.u32 $0x1, s1  }
0x8c: {  	s17 =	sshll.u32 s0, $0xA;
	s2 =	sadd.s32 s3, s2  }
0x8d: {  	s2 =	sadd.s32 s2, s17  }
0x8e: {  	[smem:$0x3FC4] =	sst s2  }
0x8f: {  	_ = 	snop  }
0x90: {  	s18 =	sld [smem:$0x3FD0];
	(tm) =	ssettm $0x1  }
0x91: {  	s19 =	sld [smem:$0x3FFB];
	_ =	sdelay $0x3  }
0x92: {  	_ =	strace s19  }
0x93: {  	s2 =	sld [smem:$0x3FFC];
	_ =	sdelay $0x3  }
0x94: {  	_ =	strace s2  }
0x95: {  	s2 =	sld [smem:$0x3FFD];
	_ =	sdelay $0x3  }
0x96: {  	_ =	strace s2  }
0x97: {  	_ =	strace $0x8FFFFFFF  }
0x98: {  	s20 =	sld [smem:$0x3FDB];
	_ =	sdelay $0x1  }
0x99: {  	s4 =	simm.s32 $_scs_section_size  }
0x9a: {  	s5 =	simm.s32 $_size__tile_overlayer_lowered;
	s6 =	simm.s32 $_tile_overlayer_lowered  }
0x9b: {  	s7 =	simm.s32 $0x1BFF;
	s21 =	sshll.u32 s6, $0x1;
	s4 =	sadd.s32 s4, s20  }
0x9c: {  	s22 =	simm.s32 $0x0;
	s5 =	sshll.u32 s5, $0x1;
	s6 =	sadd.s32 s21, s4  }
0x9d: {  	[timem:s22], [sflag:s7] =	dma.local [hbm:s6], s5  }
0x9e: {  	_ =	swait.ge [sflag:s7], s5  }
0x9f: {  	s5 =	ssub.s32 $0x0, s5;
	[sflag:s7] =	ssyncset.done $0x0  }
0xa0: {  	[sflag:s7] =	ssyncadd.s32 s5;
	_ =	sdelay $0x1  }
0xa1: {  	s23 =	simm.s32 $0x1B8B  }
0xa2: {  	_ =	swait.ge [sflag:s23], $0x1  }
0xa3: {  	[sflag:s23] =	ssyncset.done $0x0  }
0xa4: {  	[sflag:s23] =	ssyncadd.s32 $0xFFFFFFFF  }
0xa5: {  	s5 =	sld [smem:$0x0]  }
0xa6: {  	s6 =	sand.u32 $0xFFFFFFFE, s1  }
0xa7: {  	p0 =	sne.s32 s1, s6  }
0xa8: {  	s6 =	sshll.u32 @p0 s6, $0xE  }
0xa9: {  	s6 =	sadd.s32 @p0 $0x11B8D, s6;
	s7 =	sshll.u32 @p0 s5, $0x11  }
0xaa: {  	s6 =	sor.u32 @p0 s7, s6  }
0xab: {  	[sflag:s6] =	ssyncadd.remote.s32 @p0 $0x1;
	_ =	sdelay $0x1  }
0xac: {  	s6 =	simm.s32 @p0 $0x1B8D  }
0xad: {  	_ =	swait.eq @p0 [sflag:s6], $0x1  }
0xae: {  	[sflag:s6] =	ssyncadd.s32 @p0 $0xFFFFFFFF  }
0xaf: {  	s7 =	sshll.u32 @!p0 s1, $0xE  }
0xb0: {  	s7 =	sor.u32 @!p0 $0x4000, s7;
	s6 =	simm.s32 @!p0 $0x1B8D  }
0xb1: {  	s5 =	sshll.u32 @!p0 s5, $0x11;
	s7 =	sadd.s32 @!p0 $0x11B8D, s7;
	_ =	swait.eq @!p0 [sflag:s6], $0x1  }
0xb2: {  	s5 =	sor.u32 @!p0 s5, s7;
	[sflag:s6] =	ssyncadd.s32 @!p0 $0xFFFFFFFF  }
0xb3: {  	s25 =	simm.s32 $0x1B8E;
	s24 =	sld [smem:$0x3FFE];
	[sflag:s5] =	ssyncadd.remote.s32 @!p0 $0x1  }
0xb4: {  	s26 =	simm.s32 $execute0_lowered;
	[smem:$0x3FD2] =	sst s25  }
0xb5: {  	s6 =	sshll.u32 s26, $0x1;
	_ =	strace $0x80000049;
	[dreg:$0x1] =	wrdreg $0xFFFFFFFF  }
0xb6: {  	s28 =	simm.s32 $_size_execute0_lowered;
	s4 =	sadd.s32 s4, s6;
	[dreg:$0x0] =	wrdreg $0x0  }
0xb7: {  	s6 =	sshll.u32 s28, $0x1;
	[dreg:$0x2] =	wrdreg s4  }
0xb8: {  	[dreg:$0x3] =	wrdreg s6  }
0xb9: {  	[dreg:$0x4] =	wrdreg $0xC0  }
0xba: {  	_ =	task [dreg:s22], $0x5FFFF  }
0xbb: {  	[dreg:$0x1] =	wrdreg $0xFFFFFFFF  }
0xbc: {  	[dreg:$0x0] =	wrdreg $0x60  }
0xbd: {  	[dreg:$0x2] =	wrdreg s18  }
0xbe: {  	[dreg:$0x3] =	wrdreg s24  }
0xbf: {  	[dreg:$0x4] =	wrdreg $0x9  }
0xc0: {  	_ =	task.clear_ibuf [dreg:s22], $0x5FFFF;
	_ =	strace $0x90000049  }
0xc1: {  	s29 =	simm.s32 $0x9;
	_ =	strace $0x8000004B  }
0xc2: {  	_ =	swait.ge [sflag:s29], $0x1  }
0xc3: {  	[sflag:s29] =	ssyncadd.s32 $0xFFFFFFFF  }
0xc4: {  	_ =	strace $0x9000004B  }
0xc5: {  	_ =	sfence  }
0xc6: {  	s30 =	sld [smem:$0x0];
	_ =	sdelay $0x2  }
0xc7: {  	s31 =	sshll.u32 s1, $0xD;
	s1 =	sshrl.u32 s1, $0x2  }
0xc8: {  	s4 =	sand.u32 $0x4000, s31;
	s1 =	sadd.s32 s1, s30  }
0xc9: {  	s0 =	sor.u32 s4, s0;
	s1 =	sshll.u32 s1, $0x11  }
0xca: {  	s0 =	sor.u32 s1, s0  }
0xcb: {  	s0 =	sadd.s32 $0x8F2B, s0  }
0xcc: {  	[sflag:s0] =	ssyncadd.remote.s32 $0x1  }
0xcd: {  	_ =	sfence.sel $0xFFFF  }
0xce: {  	[dreg:$0x0] =	wrdreg $0xFFFFFFFF;
	(pc) =	sbr.abs _section_cstart, $3  }
0xcf: {  	[dreg:$0x1] =	wrdreg $0xFFFFFFFF  }
0xd0: {  	_ =	task.clear_ibuf [dreg:s22], $0x2FFFF;
	_ =	strace $0x9FFFFFFF  }
0xd1: {  	(tm) =	ssettm $0x7FFFFFFF  }
tec
execute0_lowered:
.L_overlay_start_1:
0x0: {  	(tag) =	ssettag $0x1  }
0x1: {  	s6 =	rddreg [dreg:$0x0]  }
0x2: {  	s8 =	rddreg [dreg:$0x1];
	s2 =	srdreg.scid  }
0x3: {  	s0 =	rddreg [dreg:$0x2];
	s1 =	stileid.u32;
	s12 =	simm.s32 $0x100  }
0x4: {  	s13 =	simm.s32 $0x900;
	s14 =	simm.s32 $0x1100;
	s15 =	simm.s32 $0x1900  }
0x5: {  	s16 =	simm.s32 $0x2100;
	s17 =	simm.s32 $0x2900;
	s18 =	simm.s32 $0x3100  }
0x6: {  	s19 =	simm.s32 $0x3900;
	s20 =	simm.s32 $0x4100;
	s21 =	simm.s32 $0x4900  }
0x7: {  	s22 =	simm.s32 $0x5100;
	s23 =	simm.s32 $0x5900;
	s24 =	simm.s32 $0x1  }
0x8: {  	s3 =	sand.u32 $0x1, s2;
	s2 =	simm.s32 $0x0;
	s4 =	sshll.u32 s1, $0x3  }
0x9: {  	s5 =	sshll.u32 s3, $0x2;
	[smem:$0x7FF] =	sst s2;
	s31 =	ssub.s32 $0x2, s3  }
0xa: {  	s3 =	sadd.s32 $0x7C600, s8;
	s4 =	sor.u32 s5, s4;
	_ =	strace $0x8000004A  }
0xb: {  	s7 =	sshrl.u32 s31, $0x1;
	s9 =	smul.u32 $0x300, s4;
	s10 =	sadd.s32 s4, s8  }
0xc: {  	v2 =	vlaneseq.u32;
	s11 =	ssub.s32 s31, s7;
	s7 =	sadd.s32 $0x7C700, s8;
	s8 =	sadd.s32 $0x7C800, s8  }
0xd: {  	vm0 =	vmmov $0xffff;
	v1 =	vshrl.u32 v2, $0x3;
	s4 =	sadd.s32 $0x7C200, s10;
	s5 =	sadd.s32 $0x7C400, s10;
	s10 =	simm.s32 $0x2  }
0xe: {  	v0 =	vand.u32 $0x7, v2;
	v2 =	vor.u32 $0x8, v2;
	v1 =	vmul.u32 $0x8, v1;
	s6 =	sadd.s32 s6, s9;
	s9 =	smax.u32 s11, $0x1;
	s11 =	simm.s32 $0x80  }
.LBB2_1:
0xf: {  	[tilespmem:s2], [sflag:$0x2] =	stream.linear.gather [hbm4b:s4+s2], $0x20, $0x38;
	[tilespmem:$0x6100] =	vst v63  }
0x10: {  	_ =	swait.ge [sflag:s10], $0x20  }
0x11: {  	[sflag:s10] =	ssyncset.done $0x0  }
0x12: {  	[sflag:s10] =	ssyncadd.s32 $0xFFFFFFE0  }
0x13: {  	[tilespmem:s11], [sflag:$0x2] =	stream.linear.gather [hbm4b:s5+s2], $0x20, $0x38;
	[tilespmem:$0x6100] =	vst v63  }
0x14: {  	_ =	swait.ge [sflag:s10], $0x20  }
0x15: {  	[sflag:s10] =	ssyncset.done $0x0  }
0x16: {  	[sflag:s10] =	ssyncadd.s32 $0xFFFFFFE0  }
0x17: {  	[tilespmem:s12], [sflag:$0x2] =	stream.linear.gather [hbm4b:s6+s2], $0x6000, $0x38;
	[tilespmem:$0x6100] =	vst v63  }
0x18: {  	_ =	swait.ge [sflag:s10], $0x6000  }
0x19: {  	[sflag:s10] =	ssyncset.done $0x0  }
0x1a: {  	[sflag:s10] =	ssyncadd.s32 $0xFFFFA000  }
0x1b: {  	v3 =	vld [tilespmem:$0x0];
	_ =	sdelay $0x4  }
0x1c: {  	v4 =	vshrl.u32 v3, $0x3  }
0x1d: {  	v4 =	vmul.u32 $0x30, v4  }
0x1e: {  	v3 =	vand.u32 $0x7, v3  }
0x1f: {  	v3 =	vor.u32 v3, v4  }
0x20: {  	v4 =	vperm.xlane v3, v0;
	_ =	sdelay $0x1  }
0x21: {  	v4 =	vadd.s32 v1, v4;
	_ =	sdelay $0x3  }
0x22: {  	v3 =	vperm.xlane v3, v2  }
0x23: {  	[hbm4b:s3+s2] =	stream.indirect_vreg.scatter [tilespmem:s12], [sflag:$0x1], $0x80, v4, vm0, $0xb8;
	[tilespmem:$0x6100] =	vst v63  }
0x24: {  	v3 =	vadd.s32 v1, v3  }
0x25: {  	[hbm4b:s7+s2] =	stream.indirect_vreg.scatter [tilespmem:s13], [sflag:$0x1], $0x80, v4, vm0, $0xb8;
	[tilespmem:$0x6100] =	vst v63  }
0x26: {  	_ = 	snop  }
0x27: {  	[hbm4b:s8+s2] =	stream.indirect_vreg.scatter [tilespmem:s14], [sflag:$0x1], $0x80, v4, vm0, $0xb8;
	[tilespmem:$0x6100] =	vst v63  }
0x28: {  	_ = 	snop  }
0x29: {  	[hbm4b:s3+s2] =	stream.indirect_vreg.scatter [tilespmem:s15], [sflag:$0x1], $0x80, v3, vm0, $0xb8;
	[tilespmem:$0x6100] =	vst v63  }
0x2a: {  	_ = 	snop  }
0x2b: {  	[hbm4b:s7+s2] =	stream.indirect_vreg.scatter [tilespmem:s16], [sflag:$0x1], $0x80, v3, vm0, $0xb8;
	[tilespmem:$0x6100] =	vst v63  }
0x2c: {  	_ = 	snop  }
0x2d: {  	[hbm4b:s8+s2] =	stream.indirect_vreg.scatter [tilespmem:s17], [sflag:$0x1], $0x80, v3, vm0, $0xb8;
	[tilespmem:$0x6100] =	vst v63  }
0x2e: {  	v3 =	vld [tilespmem:$0x10];
	_ =	sdelay $0x4  }
0x2f: {  	v61 =	vshrl.u32 v3, $0x3  }
0x30: {  	v4 =	vmul.u32 $0x30, v61  }
0x31: {  	v3 =	vand.u32 $0x7, v3  }
0x32: {  	v3 =	vor.u32 v3, v4  }
0x33: {  	v4 =	vperm.xlane v3, v0;
	_ =	sdelay $0x1  }
0x34: {  	v4 =	vadd.s32 v1, v4;
	_ =	sdelay $0x3  }
0x35: {  	v3 =	vperm.xlane v3, v2  }
0x36: {  	[hbm4b:s3+s2] =	stream.indirect_vreg.scatter [tilespmem:s18], [sflag:$0x1], $0x80, v4, vm0, $0xb8;
	[tilespmem:$0x6100] =	vst v63  }
0x37: {  	v3 =	vadd.s32 v1, v3  }
0x38: {  	[hbm4b:s7+s2] =	stream.indirect_vreg.scatter [tilespmem:s19], [sflag:$0x1], $0x80, v4, vm0, $0xb8;
	[tilespmem:$0x6100] =	vst v63  }
0x39: {  	_ = 	snop  }
0x3a: {  	[hbm4b:s8+s2] =	stream.indirect_vreg.scatter [tilespmem:s20], [sflag:$0x1], $0x80, v4, vm0, $0xb8;
	[tilespmem:$0x6100] =	vst v63  }
0x3b: {  	_ = 	snop  }
0x3c: {  	[hbm4b:s3+s2] =	stream.indirect_vreg.scatter [tilespmem:s21], [sflag:$0x1], $0x80, v3, vm0, $0xb8;
	[tilespmem:$0x6100] =	vst v63  }
0x3d: {  	_ = 	snop  }
0x3e: {  	[hbm4b:s7+s2] =	stream.indirect_vreg.scatter [tilespmem:s22], [sflag:$0x1], $0x80, v3, vm0, $0xb8;
	[tilespmem:$0x6100] =	vst v63  }
0x3f: {  	_ = 	snop  }
0x40: {  	[hbm4b:s8+s2] =	stream.indirect_vreg.scatter [tilespmem:s23], [sflag:$0x1], $0x80, v3, vm0, $0xb8;
	[tilespmem:$0x6100] =	vst v63  }
0x41: {  	v3 =	vld [tilespmem:$0x80];
	_ =	sdelay $0x4  }
0x42: {  	v62 =	vshrl.u32 v3, $0x3  }
0x43: {  	v4 =	vmul.u32 $0x30, v62  }
0x44: {  	v3 =	vand.u32 $0x7, v3  }
0x45: {  	v3 =	vor.u32 v3, v4  }
0x46: {  	v4 =	vperm.xlane v3, v0;
	_ =	sdelay $0x1  }
0x47: {  	v4 =	vadd.s32 v1, v4;
	_ =	sdelay $0x3  }
0x48: {  	v3 =	vperm.xlane v3, v2  }
0x49: {  	[hbm4b:s3+s2] =	stream.indirect_vreg.scatter [tilespmem:s12], [sflag:$0x1], $0x80, v4, vm0, $0xb8;
	[tilespmem:$0x6100] =	vst v63  }
0x4a: {  	v3 =	vadd.s32 v1, v3  }
0x4b: {  	[hbm4b:s7+s2] =	stream.indirect_vreg.scatter [tilespmem:s13], [sflag:$0x1], $0x80, v4, vm0, $0xb8;
	[tilespmem:$0x6100] =	vst v63  }
0x4c: {  	_ = 	snop  }
0x4d: {  	[hbm4b:s8+s2] =	stream.indirect_vreg.scatter [tilespmem:s14], [sflag:$0x1], $0x80, v4, vm0, $0xb8;
	[tilespmem:$0x6100] =	vst v63  }
0x4e: {  	_ = 	snop  }
0x4f: {  	[hbm4b:s3+s2] =	stream.indirect_vreg.scatter [tilespmem:s15], [sflag:$0x1], $0x80, v3, vm0, $0xb8;
	[tilespmem:$0x6100] =	vst v63  }
0x50: {  	_ = 	snop  }
0x51: {  	[hbm4b:s7+s2] =	stream.indirect_vreg.scatter [tilespmem:s16], [sflag:$0x1], $0x80, v3, vm0, $0xb8;
	[tilespmem:$0x6100] =	vst v63  }
0x52: {  	_ = 	snop  }
0x53: {  	[hbm4b:s8+s2] =	stream.indirect_vreg.scatter [tilespmem:s17], [sflag:$0x1], $0x80, v3, vm0, $0xb8;
	[tilespmem:$0x6100] =	vst v63  }
0x54: {  	v3 =	vld [tilespmem:$0x90];
	_ =	sdelay $0x4  }
0x55: {  	v63 =	vshrl.u32 v3, $0x3  }
0x56: {  	v4 =	vmul.u32 $0x30, v63  }
0x57: {  	v3 =	vand.u32 $0x7, v3  }
0x58: {  	v3 =	vor.u32 v3, v4  }
0x59: {  	v4 =	vperm.xlane v3, v0;
	_ =	sdelay $0x1  }
0x5a: {  	v4 =	vadd.s32 v1, v4;
	_ =	sdelay $0x3  }
0x5b: {  	v3 =	vperm.xlane v3, v2  }
0x5c: {  	[hbm4b:s3+s2] =	stream.indirect_vreg.scatter [tilespmem:s18], [sflag:$0x1], $0x80, v4, vm0, $0xb8;
	[tilespmem:$0x6100] =	vst v63  }
0x5d: {  	v3 =	vadd.s32 v1, v3  }
0x5e: {  	[hbm4b:s7+s2] =	stream.indirect_vreg.scatter [tilespmem:s19], [sflag:$0x1], $0x80, v4, vm0, $0xb8;
	[tilespmem:$0x6100] =	vst v63  }
0x5f: {  	_ = 	snop  }
0x60: {  	[hbm4b:s8+s2] =	stream.indirect_vreg.scatter [tilespmem:s20], [sflag:$0x1], $0x80, v4, vm0, $0xb8;
	[tilespmem:$0x6100] =	vst v63  }
0x61: {  	_ = 	snop  }
0x62: {  	[hbm4b:s3+s2] =	stream.indirect_vreg.scatter [tilespmem:s21], [sflag:$0x1], $0x80, v3, vm0, $0xb8;
	[tilespmem:$0x6100] =	vst v63  }
0x63: {  	_ = 	snop  }
0x64: {  	[hbm4b:s7+s2] =	stream.indirect_vreg.scatter [tilespmem:s22], [sflag:$0x1], $0x80, v3, vm0, $0xb8;
	[tilespmem:$0x6100] =	vst v63  }
0x65: {  	_ = 	snop  }
0x66: {  	[hbm4b:s8+s2] =	stream.indirect_vreg.scatter [tilespmem:s23], [sflag:$0x1], $0x80, v3, vm0, $0xb8;
	[tilespmem:$0x6100] =	vst v63  }
0x67: {  	p0 =	sne.s32 s9, $0x1;
	_ =	swait.ge [sflag:s24], $0x6000  }
.Ltmp0:
0x68: {  	[sflag:s24] =	ssyncset.done $0x0;
	(pc) =	sbr.rel @p0 .LBB2_1-.Ltmp0, $4  }
0x69: {  	[sflag:s24] =	ssyncadd.s32 $0xFFFFA000  }
0x6a: {  	_ =	swait.ge [sflag:s24], $0x6000  }
0x6b: {  	[sflag:s24] =	ssyncset.done $0x0  }
0x6c: {  	s9 =	sadd.s32 $0xFFFFFFFF, s9;
	[sflag:s24] =	ssyncadd.s32 $0xFFFFA000  }
0x6d: {  	_ =	sfence.sel $0x180000  }
0x6e: {  	[bflag:$0x0] =	sbarrier.arrive $0xFFFF  }
0x6f: {  	p0 =	sne.s32 s1, $0x0;
	_ =	strace $0x9000004A  }
0x70: {  	s0 =	sadd.s32 @!p0 $0x100000, s0;
	[bflag:$0x2] =	sbarrier.arrive $0xFFFF  }
0x71: {  	[sflag:s0] =	ssyncadd.tile.s32 @!p0 $0x1;
	_ =	shalt  }
.Lfunc_end2:
_tile_overlayer_lowered:
.L_overlay_start_2:
0x72: {  	(tag) =	ssettag $0x2  }
0x73: {  	s0 =	rddreg [dreg:$0x0];
	s2 =	stileid.u32  }
0x74: {  	s1 =	rddreg [dreg:$0x1];
	p0 =	sne.s32 s2, $0x0  }
0x75: {  	s3 =	rddreg [dreg:$0x2];
	[bflag:$0x3] =	sbarrier.arrive $0xFFFF;
	s2 =	simm.s32 @!p0 $0x1C02  }
0x76: {  	[timem:s3], [sflag:s2] =	dma.local @!p0 [hbm:s0], s1  }
0x77: {  	s0 =	simm.s32 @!p0 $0x2  }
0x78: {  	_ =	swait.ge @!p0 [sflag:s0], s1  }
0x79: {  	s1 =	ssub.s32 @!p0 $0x0, s1;
	[sflag:s0] =	ssyncset.done @!p0 $0x0  }
0x7a: {  	[sflag:s0] =	ssyncadd.s32 @!p0 s1  }
0x7b: {  	[bflag:$0x3] =	sbarrier.arrive $0xFFFF  }
0x7c: {  	_ =	shalt  }

// kernel: kernel.18.cloned.1.call-start
scs
__scs_entry_jumppad:
0x0: {  	(pc) =	sbr.rel $0x88, $3  }
0x1: {  	(tag) =	ssettag $0x0;
	lr =	simm.s32 $0x1  }
0x2: {  	[smem:$0x3F9D] =	sst lr;
	_ =	strace $0xD0000000  }
0x3: {  	_ = 	snop  }
0x4: {  	_ = 	snop  }
0x5: {  	_ = 	snop  }
0x6: {  	_ = 	snop  }
0x7: {  	_ = 	snop  }
__scs_overlays_trampoline_lowered:
0x8: {  	[smem:$0x3FAC] =	sst s0  }
0x9: {  	[smem:$0x3FAD] =	sst s1  }
0xa: {  	[smem:$0x3FAE] =	sst s2  }
0xb: {  	[smem:$0x3FAF] =	sst s3  }
0xc: {  	[smem:$0x3FB0] =	sst s4  }
0xd: {  	[smem:$0x3FB1] =	sst s5  }
0xe: {  	[smem:$0x3FB2] =	sst s6  }
0xf: {  	[smem:$0x3FB3] =	sst s7  }
0x10: {  	[smem:$0x3FB4] =	sst s8  }
0x11: {  	[smem:$0x3FB5] =	sst s9;
	s0 =	simm.s32 @!p0 $0x0  }
0x12: {  	s1 =	sld [smem:$0x3F9B];
	s0 =	simm.s32 @p0 $0x1  }
0x13: {  	[smem:$0x3FB6] =	sst s0;
	s0 =	simm.s32 @!p1 $0x0  }
0x14: {  	s2 =	sld [smem:$0x3F9A];
	s0 =	simm.s32 @p1 $0x1  }
0x15: {  	[smem:$0x3FB7] =	sst s0;
	s0 =	simm.s32 @!p2 $0x0  }
0x16: {  	s3 =	sld [smem:$0x3FDB];
	s0 =	simm.s32 @p2 $0x1  }
0x17: {  	s4 =	simm.s32 $0x1BF5;
	[smem:$0x3FB9] =	sst s0  }
0x18: {  	s0 =	sld [smem:$0x3F9C];
	_ =	swait.ge [sflag:s4], $0x0  }
0x19: {  	s7 =	sld [smem:$0x3F9D]  }
0x1a: {  	s8 =	sadd.s32 $0xFFFFE003, lr  }
0x1b: {  	s9 =	sadd.s32 $0xFFFFFEF7, lr;
	s5 =	simm.s32 $0xFFFFFFFF;
	p2 =	slt.u32 s8, $0xFFFFF086  }
0x1c: {  	p1 =	slt.u32 s9, $0xF7A;
	s5 =	simm.s32 @!p2 $0x0  }
0x1d: {  	s5 =	simm.s32 @p1 $0x1;
	p0 =	seq.s32 s7, s2  }
0x1e: {  	s7 =	smul.u32 @!p0 $0xF7A, s2;
	p2 =	seq.s32 @!p0 s5, $0x0  }
0x1f: {  	s9 =	smul.u32 $0xF7A, s1;
	s8 =	simm.s32 @!p0 $0x1BF5;
	p2 =	por !p2, p0  }
0x20: {  	[sflag:s8] =	ssyncset.s32 @!p0 $0xFFFFF086;
	s6 =	sadd.s32 @!p0 s3, s7;
	s7 =	simm.s32 @!p0 $0x108  }
0x21: {  	s3 =	sadd.s32 s3, s9;
	s6 =	sadd.s32 @!p0 $0x88, s6;
	s7 =	simm.s32 @p2 $0x1082  }
0x22: {  	[simem:s7], [sflag:s8] =	dma.local @!p0 [hbm:s6], $0xF7A  }
0x23: {  	s9 =	sor.u32 $0xD0000000, s2;
	s6 =	simm.s32 $0x108;
	_ =	swait.ge @!p0 [sflag:s8], $0x0  }
0x24: {  	s3 =	sadd.s32 $0x88, s3;
	s6 =	simm.s32 @!p1 $0x1082;
	[sflag:s4] =	ssyncset.s32 $0xFFFFF086  }
0x25: {  	[simem:s6], [sflag:s4] =	dma.local [hbm:s3], $0xF7A  }
0x26: {  	[smem:$0x3F9D] =	sst s1;
	(tag) =	ssettag s2;
	_ =	strace s9  }
0x27: {  	s1 =	sld [smem:$0x3FAD]  }
0x28: {  	s2 =	sld [smem:$0x3FAE]  }
0x29: {  	s4 =	sld [smem:$0x3FB0]  }
0x2a: {  	p0 =	seq.s32 s5, $0x0;
	s5 =	sld [smem:$0x3FB1]  }
0x2b: {  	s6 =	sld [smem:$0x3FB2]  }
0x2c: {  	s7 =	sld [smem:$0x3FB3]  }
0x2d: {  	s3 =	simm.s32 $0x108;
	s8 =	sld [smem:$0x3FB4]  }
0x2e: {  	s3 =	simm.s32 @!p0 $0x1082;
	s9 =	sld [smem:$0x3FB5]  }
0x2f: {  	lr =	sadd.s32 s0, s3;
	s0 =	sld [smem:$0x3FAC]  }
0x30: {  	s3 =	sld [smem:$0x3FAF]  }
0x31: {  	[smem:$0x3FB8] =	sst s10  }
0x32: {  	s10 =	sld [smem:$0x3FB6];
	_ =	sdelay $0x3  }
0x33: {  	p0 =	seq.s32 s10, $0x1;
	s10 =	sld [smem:$0x3FB8];
	_ =	sdelay $0x3  }
0x34: {  	[smem:$0x3FB8] =	sst s10  }
0x35: {  	s10 =	sld [smem:$0x3FB7];
	_ =	sdelay $0x3  }
0x36: {  	p1 =	seq.s32 s10, $0x1;
	s10 =	sld [smem:$0x3FB8];
	_ =	sdelay $0x3  }
0x37: {  	[smem:$0x3FB8] =	sst s10  }
0x38: {  	s10 =	sld [smem:$0x3FB9]  }
0x39: {  	_ = 	snop;
	(pc) =	sbr.ind lr, $3  }
0x3a: {  	_ = 	snop  }
0x3b: {  	_ = 	snop  }
0x3c: {  	p2 =	seq.s32 s10, $0x1;
	s10 =	sld [smem:$0x3FB8]  }
0x3d: {  	_ =	shalt  }
0x3e: {  	_ =	shalt  }
0x3f: {  	_ =	shalt  }
0x40: {  	_ =	shalt  }
0x41: {  	_ =	shalt  }
0x42: {  	_ =	shalt  }
0x43: {  	_ =	shalt  }
0x44: {  	_ =	shalt  }
0x45: {  	_ =	shalt  }
0x46: {  	_ =	shalt  }
0x47: {  	_ =	shalt  }
0x48: {  	_ =	shalt  }
0x49: {  	_ =	shalt  }
0x4a: {  	_ =	shalt  }
0x4b: {  	_ =	shalt  }
0x4c: {  	_ =	shalt  }
0x4d: {  	_ =	shalt  }
0x4e: {  	_ =	shalt  }
0x4f: {  	_ =	shalt  }
0x50: {  	_ =	shalt  }
0x51: {  	_ =	shalt  }
0x52: {  	_ =	shalt  }
0x53: {  	_ =	shalt  }
0x54: {  	_ =	shalt  }
0x55: {  	_ =	shalt  }
0x56: {  	_ =	shalt  }
0x57: {  	_ =	shalt  }
0x58: {  	_ =	shalt  }
0x59: {  	_ =	shalt  }
0x5a: {  	_ =	shalt  }
0x5b: {  	_ =	shalt  }
0x5c: {  	_ =	shalt  }
0x5d: {  	_ =	shalt  }
0x5e: {  	_ =	shalt  }
0x5f: {  	_ =	shalt  }
0x60: {  	_ =	shalt  }
0x61: {  	_ =	shalt  }
0x62: {  	_ =	shalt  }
0x63: {  	_ =	shalt  }
0x64: {  	_ =	shalt  }
0x65: {  	_ =	shalt  }
0x66: {  	_ =	shalt  }
0x67: {  	_ =	shalt  }
0x68: {  	_ =	shalt  }
0x69: {  	_ =	shalt  }
0x6a: {  	_ =	shalt  }
0x6b: {  	_ =	shalt  }
0x6c: {  	_ =	shalt  }
0x6d: {  	_ =	shalt  }
0x6e: {  	_ =	shalt  }
0x6f: {  	_ =	shalt  }
0x70: {  	_ =	shalt  }
0x71: {  	_ =	shalt  }
0x72: {  	_ =	shalt  }
0x73: {  	_ =	shalt  }
0x74: {  	_ =	shalt  }
0x75: {  	_ =	shalt  }
0x76: {  	_ =	shalt  }
0x77: {  	_ =	shalt  }
0x78: {  	_ =	shalt  }
0x79: {  	_ =	shalt  }
0x7a: {  	_ =	shalt  }
0x7b: {  	_ =	shalt  }
0x7c: {  	_ =	shalt  }
0x7d: {  	_ =	shalt  }
0x7e: {  	_ =	shalt  }
0x7f: {  	_ =	shalt  }
0x80: {  	_ =	shalt  }
0x81: {  	_ =	shalt  }
0x82: {  	_ =	shalt  }
0x83: {  	_ =	shalt  }
0x84: {  	_ =	shalt  }
0x85: {  	_ =	shalt  }
0x86: {  	_ =	shalt  }
0x87: {  	_ =	shalt  }
.Lfunc_end0:
.L_simem_size_0:
called_computation.2_lowered:
.L_overlay_start_0:
0x88: {  	s2 =	sld [smem:$0x3FD9]  }
0x89: {  	s3 =	sld [smem:$0x3FFE];
	_ =	sdelay $0x1  }
0x8a: {  	s1 =	srdreg.scid  }
0x8b: {  	s0 =	sand.u32 $0x1, s1  }
0x8c: {  	s17 =	sshll.u32 s0, $0xA;
	s2 =	sadd.s32 s3, s2  }
0x8d: {  	s2 =	sadd.s32 s2, s17  }
0x8e: {  	[smem:$0x3FC4] =	sst s2  }
0x8f: {  	_ = 	snop  }
0x90: {  	(tm) =	ssettm $0x1  }
0x91: {  	s18 =	sld [smem:$0x3FFB];
	_ =	sdelay $0x3  }
0x92: {  	_ =	strace s18  }
0x93: {  	s2 =	sld [smem:$0x3FFC];
	_ =	sdelay $0x3  }
0x94: {  	_ =	strace s2  }
0x95: {  	s2 =	sld [smem:$0x3FFD];
	_ =	sdelay $0x3  }
0x96: {  	_ =	strace s2  }
0x97: {  	_ =	strace $0x8FFFFFFF  }
0x98: {  	s19 =	sld [smem:$0x3FDB];
	_ =	sdelay $0x1  }
0x99: {  	s20 =	simm.s32 $_scs_section_size  }
0x9a: {  	s4 =	simm.s32 $_size__tile_overlayer_lowered;
	s5 =	simm.s32 $_tile_overlayer_lowered  }
0x9b: {  	s6 =	simm.s32 $0x1BFF;
	s21 =	sshll.u32 s5, $0x1;
	s3 =	sadd.s32 s20, s19  }
0x9c: {  	s22 =	simm.s32 $0x0;
	s4 =	sshll.u32 s4, $0x1;
	s5 =	sadd.s32 s21, s3  }
0x9d: {  	[timem:s22], [sflag:s6] =	dma.local [hbm:s5], s4  }
0x9e: {  	_ =	swait.ge [sflag:s6], s4  }
0x9f: {  	s4 =	ssub.s32 $0x0, s4;
	[sflag:s6] =	ssyncset.done $0x0  }
0xa0: {  	[sflag:s6] =	ssyncadd.s32 s4;
	_ =	sdelay $0x1  }
0xa1: {  	s23 =	simm.s32 $0x1B8B  }
0xa2: {  	_ =	swait.ge [sflag:s23], $0x1  }
0xa3: {  	[sflag:s23] =	ssyncset.done $0x0  }
0xa4: {  	[sflag:s23] =	ssyncadd.s32 $0xFFFFFFFF  }
0xa5: {  	s4 =	sld [smem:$0x0]  }
0xa6: {  	s5 =	sand.u32 $0xFFFFFFFE, s1  }
0xa7: {  	p0 =	sne.s32 s1, s5  }
0xa8: {  	s5 =	sshll.u32 @p0 s5, $0xE  }
0xa9: {  	s5 =	sadd.s32 @p0 $0x11B8D, s5;
	s6 =	sshll.u32 @p0 s4, $0x11  }
0xaa: {  	s5 =	sor.u32 @p0 s6, s5  }
0xab: {  	[sflag:s5] =	ssyncadd.remote.s32 @p0 $0x1;
	_ =	sdelay $0x1  }
0xac: {  	s5 =	simm.s32 @p0 $0x1B8D  }
0xad: {  	_ =	swait.eq @p0 [sflag:s5], $0x1  }
0xae: {  	[sflag:s5] =	ssyncadd.s32 @p0 $0xFFFFFFFF  }
0xaf: {  	s6 =	sshll.u32 @!p0 s1, $0xE  }
0xb0: {  	s6 =	sor.u32 @!p0 $0x4000, s6;
	s5 =	simm.s32 @!p0 $0x1B8D  }
0xb1: {  	s4 =	sshll.u32 @!p0 s4, $0x11;
	s6 =	sadd.s32 @!p0 $0x11B8D, s6;
	_ =	swait.eq @!p0 [sflag:s5], $0x1  }
0xb2: {  	s4 =	sor.u32 @!p0 s4, s6;
	[sflag:s5] =	ssyncadd.s32 @!p0 $0xFFFFFFFF  }
0xb3: {  	s25 =	simm.s32 $0x1B8E;
	s24 =	sld [smem:$0x3FFE];
	[sflag:s4] =	ssyncadd.remote.s32 @!p0 $0x1  }
0xb4: {  	s26 =	simm.s32 $execute0_lowered;
	[smem:$0x3FD2] =	sst s25  }
0xb5: {  	s5 =	sshll.u32 s26, $0x1;
	_ =	strace $0x8000004C;
	[dreg:$0x1] =	wrdreg $0xFFFFFFFF  }
0xb6: {  	s28 =	simm.s32 $_size_execute0_lowered;
	s3 =	sadd.s32 s3, s5;
	[dreg:$0x0] =	wrdreg $0x0  }
0xb7: {  	s5 =	sshll.u32 s28, $0x1;
	[dreg:$0x2] =	wrdreg s3  }
0xb8: {  	[dreg:$0x3] =	wrdreg s5  }
0xb9: {  	[dreg:$0x4] =	wrdreg $0xC0  }
0xba: {  	_ =	task [dreg:s22], $0x5FFFF  }
0xbb: {  	[dreg:$0x1] =	wrdreg $0xFFFFFFFF  }
0xbc: {  	[dreg:$0x0] =	wrdreg $0x60  }
0xbd: {  	[dreg:$0x2] =	wrdreg s24  }
0xbe: {  	[dreg:$0x3] =	wrdreg $0xA  }
0xbf: {  	_ =	task.clear_ibuf [dreg:s22], $0x4FFFF;
	_ =	strace $0x9000004C  }
0xc0: {  	s29 =	simm.s32 $0xA;
	_ =	strace $0x8000004E  }
0xc1: {  	_ =	swait.ge [sflag:s29], $0x1  }
0xc2: {  	[sflag:s29] =	ssyncadd.s32 $0xFFFFFFFF  }
0xc3: {  	_ =	strace $0x9000004E  }
0xc4: {  	_ =	sfence  }
0xc5: {  	s30 =	sld [smem:$0x0];
	_ =	sdelay $0x2  }
0xc6: {  	s31 =	sshll.u32 s1, $0xD;
	s1 =	sshrl.u32 s1, $0x2  }
0xc7: {  	s4 =	sand.u32 $0x4000, s31;
	s1 =	sadd.s32 s1, s30  }
0xc8: {  	s0 =	sor.u32 s4, s0;
	s1 =	sshll.u32 s1, $0x11  }
0xc9: {  	s0 =	sor.u32 s1, s0  }
0xca: {  	s0 =	sadd.s32 $0x8F2B, s0  }
0xcb: {  	[sflag:s0] =	ssyncadd.remote.s32 $0x1  }
0xcc: {  	_ =	sfence.sel $0xFFFF  }
0xcd: {  	[dreg:$0x0] =	wrdreg $0xFFFFFFFF;
	(pc) =	sbr.abs _section_cstart, $3  }
0xce: {  	[dreg:$0x1] =	wrdreg $0xFFFFFFFF  }
0xcf: {  	_ =	task.clear_ibuf [dreg:s22], $0x2FFFF;
	_ =	strace $0x9FFFFFFF  }
0xd0: {  	(tm) =	ssettm $0x7FFFFFFF  }
0xd1: {  	_ =	shalt  }
tec
execute0_lowered:
.L_overlay_start_1:
0x0: {  	(tag) =	ssettag $0x1  }
0x1: {  	s1 =	srdreg.scid;
	s0 =	stileid.u32  }
0x2: {  	s5 =	rddreg [dreg:$0x0];
	s2 =	simm.s32 $0x0;
	s25 =	simm.s32 $0x80  }
0x3: {  	s8 =	simm.s32 $0x100;
	s26 =	simm.s32 $0x900;
	s10 =	simm.s32 $0x1900  }
0x4: {  	s11 =	simm.s32 $0x2100;
	s12 =	simm.s32 $0x2900;
	s13 =	simm.s32 $0x3100  }
0x5: {  	s14 =	simm.s32 $0x3900;
	s15 =	simm.s32 $0x4100;
	s16 =	simm.s32 $0x4900  }
0x6: {  	s17 =	simm.s32 $0x5100;
	s18 =	simm.s32 $0x5900;
	s19 =	simm.s32 $0x6100  }
0x7: {  	s20 =	simm.s32 $0x6900;
	s21 =	simm.s32 $0x7100;
	s28 =	simm.s32 $0xA100  }
0x8: {  	s29 =	simm.s32 $0xA900;
	s30 =	simm.s32 $0xB100;
	s31 =	simm.s32 $0xB900  }
0x9: {  	s1 =	sand.u32 $0x1, s1;
	s3 =	sshll.u32 s0, $0x3;
	[smem:$0x7FF] =	sst s2  }
0xa: {  	s4 =	sshll.u32 s1, $0x2;
	_ =	strace $0x8000004D;
	[dreg:$0x6] =	wrdreg s25  }
0xb: {  	s1 =	ssub.s32 $0x2, s1;
	[dreg:$0x7] =	wrdreg s26;
	s25 =	simm.s32 $0x9100  }
0xc: {  	s26 =	simm.s32 $0x9900;
	s3 =	sor.u32 s4, s3;
	s22 =	sshrl.u32 s1, $0x1  }
0xd: {  	s4 =	smul.u32 $0x300, s3;
	s6 =	sadd.s32 s3, s5;
	s3 =	sadd.s32 $0x1C200, s5  }
0xe: {  	s1 =	ssub.s32 s1, s22;
	s22 =	simm.s32 $0x7900;
	s7 =	sadd.s32 $0x1BE00, s6  }
0xf: {  	s6 =	sadd.s32 $0x1C000, s6;
	s4 =	sadd.s32 s4, s5;
	[dreg:$0x2] =	wrdreg s7  }
0x10: {  	[dreg:$0x3] =	wrdreg s6;
	s6 =	smax.u32 s1, $0x1;
	s7 =	simm.s32 $0x2  }
0x11: {  	v2 =	vlaneseq.u32;
	s1 =	simm.s32 $0x1;
	s23 =	sadd.s32 $0x3E00, s4;
	s24 =	sadd.s32 $0xDC600, s4  }
0x12: {  	vm0 =	vmmov $0xffff;
	v1 =	vshrl.u32 v2, $0x3;
	s4 =	sadd.s32 $0x1C300, s5;
	s5 =	sadd.s32 $0x1C400, s5;
	[dreg:$0x4] =	wrdreg s23  }
0x13: {  	v0 =	vand.u32 $0x7, v2;
	v2 =	vor.u32 $0x8, v2;
	v1 =	vmul.u32 $0x8, v1;
	[dreg:$0x5] =	wrdreg s24;
	s23 =	simm.s32 $0x8100;
	s24 =	simm.s32 $0x8900  }
.LBB2_1:
0x14: {  	s0 =	rddreg [dreg:$0x2]  }
0x15: {  	[tilespmem:s2], [sflag:$0x2] =	stream.linear.gather [hbm4b:s0+s2], $0x20, $0x38;
	[tilespmem:$0xC100] =	vst v63  }
0x16: {  	_ =	swait.ge [sflag:s7], $0x20  }
0x17: {  	s0 =	rddreg [dreg:$0x3];
	[sflag:s7] =	ssyncset.done $0x0  }
0x18: {  	s9 =	rddreg [dreg:$0x6];
	[sflag:s7] =	ssyncadd.s32 $0xFFFFFFE0  }
0x19: {  	[tilespmem:s9], [sflag:$0x2] =	stream.linear.gather [hbm4b:s0+s2], $0x20, $0x38;
	[tilespmem:$0xC100] =	vst v63  }
0x1a: {  	_ =	swait.ge [sflag:s7], $0x20  }
0x1b: {  	[sflag:s7] =	ssyncset.done $0x0  }
0x1c: {  	[sflag:s7] =	ssyncadd.s32 $0xFFFFFFE0  }
0x1d: {  	v3 =	vld [tilespmem:$0x0];
	_ =	sdelay $0x4  }
0x1e: {  	v4 =	vshrl.u32 v3, $0x3  }
0x1f: {  	v4 =	vmul.u32 $0x30, v4  }
0x20: {  	v3 =	vand.u32 $0x7, v3  }
0x21: {  	v3 =	vor.u32 v3, v4  }
0x22: {  	v4 =	vperm.xlane v3, v0;
	_ =	sdelay $0x1  }
0x23: {  	v4 =	vadd.s32 v1, v4;
	_ =	sdelay $0x3  }
0x24: {  	v3 =	vperm.xlane v3, v2  }
0x25: {  	[tilespmem:s8], [sflag:$0x1] =	stream.indirect_vreg.gather [hbm4b:s3+s2], $0x80, v4, vm0, $0xb8;
	[tilespmem:$0xC100] =	vst v63  }
0x26: {  	s9 =	rddreg [dreg:$0x7];
	v3 =	vadd.s32 v1, v3  }
0x27: {  	[tilespmem:s9], [sflag:$0x1] =	stream.indirect_vreg.gather [hbm4b:s4+s2], $0x80, v4, vm0, $0xb8;
	[tilespmem:$0xC100] =	vst v63  }
0x28: {  	s9 =	simm.s32 $0x1100  }
0x29: {  	[tilespmem:s9], [sflag:$0x1] =	stream.indirect_vreg.gather [hbm4b:s5+s2], $0x80, v4, vm0, $0xb8;
	[tilespmem:$0xC100] =	vst v63  }
0x2a: {  	_ = 	snop  }
0x2b: {  	[tilespmem:s10], [sflag:$0x1] =	stream.indirect_vreg.gather [hbm4b:s3+s2], $0x80, v3, vm0, $0xb8;
	[tilespmem:$0xC100] =	vst v63  }
0x2c: {  	_ = 	snop  }
0x2d: {  	[tilespmem:s11], [sflag:$0x1] =	stream.indirect_vreg.gather [hbm4b:s4+s2], $0x80, v3, vm0, $0xb8;
	[tilespmem:$0xC100] =	vst v63  }
0x2e: {  	_ = 	snop  }
0x2f: {  	[tilespmem:s12], [sflag:$0x1] =	stream.indirect_vreg.gather [hbm4b:s5+s2], $0x80, v3, vm0, $0xb8;
	[tilespmem:$0xC100] =	vst v63  }
0x30: {  	v3 =	vld [tilespmem:$0x10];
	_ =	sdelay $0x4  }
0x31: {  	v61 =	vshrl.u32 v3, $0x3  }
0x32: {  	v4 =	vmul.u32 $0x30, v61  }
0x33: {  	v3 =	vand.u32 $0x7, v3  }
0x34: {  	v3 =	vor.u32 v3, v4  }
0x35: {  	v4 =	vperm.xlane v3, v0;
	_ =	sdelay $0x1  }
0x36: {  	v4 =	vadd.s32 v1, v4;
	_ =	sdelay $0x3  }
0x37: {  	v3 =	vperm.xlane v3, v2  }
0x38: {  	[tilespmem:s13], [sflag:$0x1] =	stream.indirect_vreg.gather [hbm4b:s3+s2], $0x80, v4, vm0, $0xb8;
	[tilespmem:$0xC100] =	vst v63  }
0x39: {  	v3 =	vadd.s32 v1, v3  }
0x3a: {  	[tilespmem:s14], [sflag:$0x1] =	stream.indirect_vreg.gather [hbm4b:s4+s2], $0x80, v4, vm0, $0xb8;
	[tilespmem:$0xC100] =	vst v63  }
0x3b: {  	_ = 	snop  }
0x3c: {  	[tilespmem:s15], [sflag:$0x1] =	stream.indirect_vreg.gather [hbm4b:s5+s2], $0x80, v4, vm0, $0xb8;
	[tilespmem:$0xC100] =	vst v63  }
0x3d: {  	_ = 	snop  }
0x3e: {  	[tilespmem:s16], [sflag:$0x1] =	stream.indirect_vreg.gather [hbm4b:s3+s2], $0x80, v3, vm0, $0xb8;
	[tilespmem:$0xC100] =	vst v63  }
0x3f: {  	_ = 	snop  }
0x40: {  	[tilespmem:s17], [sflag:$0x1] =	stream.indirect_vreg.gather [hbm4b:s4+s2], $0x80, v3, vm0, $0xb8;
	[tilespmem:$0xC100] =	vst v63  }
0x41: {  	_ = 	snop  }
0x42: {  	[tilespmem:s18], [sflag:$0x1] =	stream.indirect_vreg.gather [hbm4b:s5+s2], $0x80, v3, vm0, $0xb8;
	[tilespmem:$0xC100] =	vst v63  }
0x43: {  	v3 =	vld [tilespmem:$0x80];
	_ =	sdelay $0x4  }
0x44: {  	v62 =	vshrl.u32 v3, $0x3  }
0x45: {  	v4 =	vmul.u32 $0x30, v62  }
0x46: {  	v3 =	vand.u32 $0x7, v3  }
0x47: {  	v3 =	vor.u32 v3, v4  }
0x48: {  	v4 =	vperm.xlane v3, v0;
	_ =	sdelay $0x1  }
0x49: {  	v4 =	vadd.s32 v1, v4;
	_ =	sdelay $0x3  }
0x4a: {  	v3 =	vperm.xlane v3, v2  }
0x4b: {  	[tilespmem:s19], [sflag:$0x1] =	stream.indirect_vreg.gather [hbm4b:s3+s2], $0x80, v4, vm0, $0xb8;
	[tilespmem:$0xC100] =	vst v63  }
0x4c: {  	v3 =	vadd.s32 v1, v3  }
0x4d: {  	[tilespmem:s20], [sflag:$0x1] =	stream.indirect_vreg.gather [hbm4b:s4+s2], $0x80, v4, vm0, $0xb8;
	[tilespmem:$0xC100] =	vst v63  }
0x4e: {  	_ = 	snop  }
0x4f: {  	[tilespmem:s21], [sflag:$0x1] =	stream.indirect_vreg.gather [hbm4b:s5+s2], $0x80, v4, vm0, $0xb8;
	[tilespmem:$0xC100] =	vst v63  }
0x50: {  	_ = 	snop  }
0x51: {  	[tilespmem:s22], [sflag:$0x1] =	stream.indirect_vreg.gather [hbm4b:s3+s2], $0x80, v3, vm0, $0xb8;
	[tilespmem:$0xC100] =	vst v63  }
0x52: {  	_ = 	snop  }
0x53: {  	[tilespmem:s23], [sflag:$0x1] =	stream.indirect_vreg.gather [hbm4b:s4+s2], $0x80, v3, vm0, $0xb8;
	[tilespmem:$0xC100] =	vst v63  }
0x54: {  	_ = 	snop  }
0x55: {  	[tilespmem:s24], [sflag:$0x1] =	stream.indirect_vreg.gather [hbm4b:s5+s2], $0x80, v3, vm0, $0xb8;
	[tilespmem:$0xC100] =	vst v63  }
0x56: {  	v3 =	vld [tilespmem:$0x90];
	_ =	sdelay $0x4  }
0x57: {  	v63 =	vshrl.u32 v3, $0x3  }
0x58: {  	v4 =	vmul.u32 $0x30, v63  }
0x59: {  	v3 =	vand.u32 $0x7, v3  }
0x5a: {  	v3 =	vor.u32 v3, v4  }
0x5b: {  	v4 =	vperm.xlane v3, v0;
	_ =	sdelay $0x1  }
0x5c: {  	v4 =	vadd.s32 v1, v4;
	_ =	sdelay $0x3  }
0x5d: {  	v3 =	vperm.xlane v3, v2  }
0x5e: {  	[tilespmem:s25], [sflag:$0x1] =	stream.indirect_vreg.gather [hbm4b:s3+s2], $0x80, v4, vm0, $0xb8;
	[tilespmem:$0xC100] =	vst v63  }
0x5f: {  	v3 =	vadd.s32 v1, v3  }
0x60: {  	[tilespmem:s26], [sflag:$0x1] =	stream.indirect_vreg.gather [hbm4b:s4+s2], $0x80, v4, vm0, $0xb8;
	[tilespmem:$0xC100] =	vst v63  }
0x61: {  	_ = 	snop  }
0x62: {  	[tilespmem:s28], [sflag:$0x1] =	stream.indirect_vreg.gather [hbm4b:s5+s2], $0x80, v4, vm0, $0xb8;
	[tilespmem:$0xC100] =	vst v63  }
0x63: {  	_ = 	snop  }
0x64: {  	[tilespmem:s29], [sflag:$0x1] =	stream.indirect_vreg.gather [hbm4b:s3+s2], $0x80, v3, vm0, $0xb8;
	[tilespmem:$0xC100] =	vst v63  }
0x65: {  	_ = 	snop  }
0x66: {  	[tilespmem:s30], [sflag:$0x1] =	stream.indirect_vreg.gather [hbm4b:s4+s2], $0x80, v3, vm0, $0xb8;
	[tilespmem:$0xC100] =	vst v63  }
0x67: {  	_ = 	snop  }
0x68: {  	[tilespmem:s31], [sflag:$0x1] =	stream.indirect_vreg.gather [hbm4b:s5+s2], $0x80, v3, vm0, $0xb8;
	[tilespmem:$0xC100] =	vst v63  }
0x69: {  	_ =	swait.ge [sflag:s1], $0x6000  }
0x6a: {  	[sflag:s1] =	ssyncset.done $0x0  }
0x6b: {  	s9 =	rddreg [dreg:$0x4];
	[sflag:s1] =	ssyncadd.s32 $0xFFFFA000  }
0x6c: {  	[hbm4b:s9+s2] =	stream.linear.scatter [tilespmem:s8], [sflag:$0x2], $0x6000, $0x38;
	[tilespmem:$0xC100] =	vst v63  }
0x6d: {  	_ =	swait.ge [sflag:s7], $0x6000  }
0x6e: {  	[sflag:s7] =	ssyncset.done $0x0  }
0x6f: {  	[sflag:s7] =	ssyncadd.s32 $0xFFFFA000  }
0x70: {  	_ =	swait.ge [sflag:s1], $0x6000  }
0x71: {  	p0 =	sne.s32 s6, $0x1;
	[sflag:s1] =	ssyncset.done $0x0  }
.Ltmp0:
0x72: {  	s9 =	rddreg [dreg:$0x5];
	[sflag:s1] =	ssyncadd.s32 $0xFFFFA000;
	(pc) =	sbr.rel @p0 .LBB2_1-.Ltmp0, $4  }
0x73: {  	[hbm4b:s9+s2] =	stream.linear.scatter [tilespmem:s19], [sflag:$0x2], $0x6000, $0x38;
	[tilespmem:$0xC100] =	vst v63  }
0x74: {  	_ =	swait.ge [sflag:s7], $0x6000  }
0x75: {  	[sflag:s7] =	ssyncset.done $0x0  }
0x76: {  	s6 =	sadd.s32 $0xFFFFFFFF, s6;
	[sflag:s7] =	ssyncadd.s32 $0xFFFFA000  }
0x77: {  	_ =	sfence.sel $0x180000  }
0x78: {  	[bflag:$0x0] =	sbarrier.arrive $0xFFFF  }
0x79: {  	_ =	strace $0x9000004D  }
0x7a: {  	s0 =	stileid.u32;
	[bflag:$0x2] =	sbarrier.arrive $0xFFFF  }
0x7b: {  	p0 =	sne.s32 s0, $0x0;
	s0 =	rddreg [dreg:$0x1]  }
0x7c: {  	s0 =	sadd.s32 @!p0 $0x100000, s0  }
0x7d: {  	[sflag:s0] =	ssyncadd.tile.s32 @!p0 $0x1;
	_ =	shalt  }
.Lfunc_end2:
_tile_overlayer_lowered:
.L_overlay_start_2:
0x7e: {  	(tag) =	ssettag $0x2  }
0x7f: {  	s0 =	rddreg [dreg:$0x0];
	s2 =	stileid.u32  }
0x80: {  	s1 =	rddreg [dreg:$0x1];
	p0 =	sne.s32 s2, $0x0  }
0x81: {  	s3 =	rddreg [dreg:$0x2];
	[bflag:$0x3] =	sbarrier.arrive $0xFFFF;
	s2 =	simm.s32 @!p0 $0x1C02  }
0x82: {  	[timem:s3], [sflag:s2] =	dma.local @!p0 [hbm:s0], s1  }
0x83: {  	s0 =	simm.s32 @!p0 $0x2  }
0x84: {  	_ =	swait.ge @!p0 [sflag:s0], s1  }
0x85: {  	s1 =	ssub.s32 @!p0 $0x0, s1;
	[sflag:s0] =	ssyncset.done @!p0 $0x0  }
0x86: {  	[sflag:s0] =	ssyncadd.s32 @!p0 s1  }
0x87: {  	[bflag:$0x3] =	sbarrier.arrive $0xFFFF  }
0x88: {  	_ =	shalt  }

// kernel: kernel.21.cloned.1.call-start
scs
__scs_entry_jumppad:
0x0: {  	(pc) =	sbr.rel $0x88, $3  }
0x1: {  	(tag) =	ssettag $0x0;
	lr =	simm.s32 $0x1  }
0x2: {  	[smem:$0x3F9D] =	sst lr;
	_ =	strace $0xD0000000  }
0x3: {  	_ = 	snop  }
0x4: {  	_ = 	snop  }
0x5: {  	_ = 	snop  }
0x6: {  	_ = 	snop  }
0x7: {  	_ = 	snop  }
__scs_overlays_trampoline_lowered:
0x8: {  	[smem:$0x3FAC] =	sst s0  }
0x9: {  	[smem:$0x3FAD] =	sst s1  }
0xa: {  	[smem:$0x3FAE] =	sst s2  }
0xb: {  	[smem:$0x3FAF] =	sst s3  }
0xc: {  	[smem:$0x3FB0] =	sst s4  }
0xd: {  	[smem:$0x3FB1] =	sst s5  }
0xe: {  	[smem:$0x3FB2] =	sst s6  }
0xf: {  	[smem:$0x3FB3] =	sst s7  }
0x10: {  	[smem:$0x3FB4] =	sst s8  }
0x11: {  	[smem:$0x3FB5] =	sst s9;
	s0 =	simm.s32 @!p0 $0x0  }
0x12: {  	s1 =	sld [smem:$0x3F9B];
	s0 =	simm.s32 @p0 $0x1  }
0x13: {  	[smem:$0x3FB6] =	sst s0;
	s0 =	simm.s32 @!p1 $0x0  }
0x14: {  	s2 =	sld [smem:$0x3F9A];
	s0 =	simm.s32 @p1 $0x1  }
0x15: {  	[smem:$0x3FB7] =	sst s0;
	s0 =	simm.s32 @!p2 $0x0  }
0x16: {  	s3 =	sld [smem:$0x3FDB];
	s0 =	simm.s32 @p2 $0x1  }
0x17: {  	s4 =	simm.s32 $0x1BF5;
	[smem:$0x3FB9] =	sst s0  }
0x18: {  	s0 =	sld [smem:$0x3F9C];
	_ =	swait.ge [sflag:s4], $0x0  }
0x19: {  	s7 =	sld [smem:$0x3F9D]  }
0x1a: {  	s8 =	sadd.s32 $0xFFFFE003, lr  }
0x1b: {  	s9 =	sadd.s32 $0xFFFFFEF7, lr;
	s5 =	simm.s32 $0xFFFFFFFF;
	p2 =	slt.u32 s8, $0xFFFFF086  }
0x1c: {  	p1 =	slt.u32 s9, $0xF7A;
	s5 =	simm.s32 @!p2 $0x0  }
0x1d: {  	s5 =	simm.s32 @p1 $0x1;
	p0 =	seq.s32 s7, s2  }
0x1e: {  	s7 =	smul.u32 @!p0 $0xF7A, s2;
	p2 =	seq.s32 @!p0 s5, $0x0  }
0x1f: {  	s9 =	smul.u32 $0xF7A, s1;
	s8 =	simm.s32 @!p0 $0x1BF5;
	p2 =	por !p2, p0  }
0x20: {  	[sflag:s8] =	ssyncset.s32 @!p0 $0xFFFFF086;
	s6 =	sadd.s32 @!p0 s3, s7;
	s7 =	simm.s32 @!p0 $0x108  }
0x21: {  	s3 =	sadd.s32 s3, s9;
	s6 =	sadd.s32 @!p0 $0x88, s6;
	s7 =	simm.s32 @p2 $0x1082  }
0x22: {  	[simem:s7], [sflag:s8] =	dma.local @!p0 [hbm:s6], $0xF7A  }
0x23: {  	s9 =	sor.u32 $0xD0000000, s2;
	s6 =	simm.s32 $0x108;
	_ =	swait.ge @!p0 [sflag:s8], $0x0  }
0x24: {  	s3 =	sadd.s32 $0x88, s3;
	s6 =	simm.s32 @!p1 $0x1082;
	[sflag:s4] =	ssyncset.s32 $0xFFFFF086  }
0x25: {  	[simem:s6], [sflag:s4] =	dma.local [hbm:s3], $0xF7A  }
0x26: {  	[smem:$0x3F9D] =	sst s1;
	(tag) =	ssettag s2;
	_ =	strace s9  }
0x27: {  	s1 =	sld [smem:$0x3FAD]  }
0x28: {  	s2 =	sld [smem:$0x3FAE]  }
0x29: {  	s4 =	sld [smem:$0x3FB0]  }
0x2a: {  	p0 =	seq.s32 s5, $0x0;
	s5 =	sld [smem:$0x3FB1]  }
0x2b: {  	s6 =	sld [smem:$0x3FB2]  }
0x2c: {  	s7 =	sld [smem:$0x3FB3]  }
0x2d: {  	s3 =	simm.s32 $0x108;
	s8 =	sld [smem:$0x3FB4]  }
0x2e: {  	s3 =	simm.s32 @!p0 $0x1082;
	s9 =	sld [smem:$0x3FB5]  }
0x2f: {  	lr =	sadd.s32 s0, s3;
	s0 =	sld [smem:$0x3FAC]  }
0x30: {  	s3 =	sld [smem:$0x3FAF]  }
0x31: {  	[smem:$0x3FB8] =	sst s10  }
0x32: {  	s10 =	sld [smem:$0x3FB6];
	_ =	sdelay $0x3  }
0x33: {  	p0 =	seq.s32 s10, $0x1;
	s10 =	sld [smem:$0x3FB8];
	_ =	sdelay $0x3  }
0x34: {  	[smem:$0x3FB8] =	sst s10  }
0x35: {  	s10 =	sld [smem:$0x3FB7];
	_ =	sdelay $0x3  }
0x36: {  	p1 =	seq.s32 s10, $0x1;
	s10 =	sld [smem:$0x3FB8];
	_ =	sdelay $0x3  }
0x37: {  	[smem:$0x3FB8] =	sst s10  }
0x38: {  	s10 =	sld [smem:$0x3FB9]  }
0x39: {  	_ = 	snop;
	(pc) =	sbr.ind lr, $3  }
0x3a: {  	_ = 	snop  }
0x3b: {  	_ = 	snop  }
0x3c: {  	p2 =	seq.s32 s10, $0x1;
	s10 =	sld [smem:$0x3FB8]  }
0x3d: {  	_ =	shalt  }
0x3e: {  	_ =	shalt  }
0x3f: {  	_ =	shalt  }
0x40: {  	_ =	shalt  }
0x41: {  	_ =	shalt  }
0x42: {  	_ =	shalt  }
0x43: {  	_ =	shalt  }
0x44: {  	_ =	shalt  }
0x45: {  	_ =	shalt  }
0x46: {  	_ =	shalt  }
0x47: {  	_ =	shalt  }
0x48: {  	_ =	shalt  }
0x49: {  	_ =	shalt  }
0x4a: {  	_ =	shalt  }
0x4b: {  	_ =	shalt  }
0x4c: {  	_ =	shalt  }
0x4d: {  	_ =	shalt  }
0x4e: {  	_ =	shalt  }
0x4f: {  	_ =	shalt  }
0x50: {  	_ =	shalt  }
0x51: {  	_ =	shalt  }
0x52: {  	_ =	shalt  }
0x53: {  	_ =	shalt  }
0x54: {  	_ =	shalt  }
0x55: {  	_ =	shalt  }
0x56: {  	_ =	shalt  }
0x57: {  	_ =	shalt  }
0x58: {  	_ =	shalt  }
0x59: {  	_ =	shalt  }
0x5a: {  	_ =	shalt  }
0x5b: {  	_ =	shalt  }
0x5c: {  	_ =	shalt  }
0x5d: {  	_ =	shalt  }
0x5e: {  	_ =	shalt  }
0x5f: {  	_ =	shalt  }
0x60: {  	_ =	shalt  }
0x61: {  	_ =	shalt  }
0x62: {  	_ =	shalt  }
0x63: {  	_ =	shalt  }
0x64: {  	_ =	shalt  }
0x65: {  	_ =	shalt  }
0x66: {  	_ =	shalt  }
0x67: {  	_ =	shalt  }
0x68: {  	_ =	shalt  }
0x69: {  	_ =	shalt  }
0x6a: {  	_ =	shalt  }
0x6b: {  	_ =	shalt  }
0x6c: {  	_ =	shalt  }
0x6d: {  	_ =	shalt  }
0x6e: {  	_ =	shalt  }
0x6f: {  	_ =	shalt  }
0x70: {  	_ =	shalt  }
0x71: {  	_ =	shalt  }
0x72: {  	_ =	shalt  }
0x73: {  	_ =	shalt  }
0x74: {  	_ =	shalt  }
0x75: {  	_ =	shalt  }
0x76: {  	_ =	shalt  }
0x77: {  	_ =	shalt  }
0x78: {  	_ =	shalt  }
0x79: {  	_ =	shalt  }
0x7a: {  	_ =	shalt  }
0x7b: {  	_ =	shalt  }
0x7c: {  	_ =	shalt  }
0x7d: {  	_ =	shalt  }
0x7e: {  	_ =	shalt  }
0x7f: {  	_ =	shalt  }
0x80: {  	_ =	shalt  }
0x81: {  	_ =	shalt  }
0x82: {  	_ =	shalt  }
0x83: {  	_ =	shalt  }
0x84: {  	_ =	shalt  }
0x85: {  	_ =	shalt  }
0x86: {  	_ =	shalt  }
0x87: {  	_ =	shalt  }
.Lfunc_end0:
.L_simem_size_0:
called_computation.3_lowered:
.L_overlay_start_0:
0x88: {  	s2 =	sld [smem:$0x3FD9]  }
0x89: {  	s3 =	sld [smem:$0x3FFE];
	_ =	sdelay $0x1  }
0x8a: {  	s1 =	srdreg.scid  }
0x8b: {  	s0 =	sand.u32 $0x1, s1  }
0x8c: {  	s17 =	sshll.u32 s0, $0xA;
	s2 =	sadd.s32 s3, s2  }
0x8d: {  	s2 =	sadd.s32 s2, s17  }
0x8e: {  	[smem:$0x3FC4] =	sst s2  }
0x8f: {  	_ = 	snop  }
0x90: {  	s18 =	sld [smem:$0x3FD0];
	(tm) =	ssettm $0x1  }
0x91: {  	s19 =	sld [smem:$0x3FFB];
	_ =	sdelay $0x3  }
0x92: {  	_ =	strace s19  }
0x93: {  	s2 =	sld [smem:$0x3FFC];
	_ =	sdelay $0x3  }
0x94: {  	_ =	strace s2  }
0x95: {  	s2 =	sld [smem:$0x3FFD];
	_ =	sdelay $0x3  }
0x96: {  	_ =	strace s2  }
0x97: {  	_ =	strace $0x8FFFFFFF  }
0x98: {  	s20 =	sld [smem:$0x3FDB];
	_ =	sdelay $0x1  }
0x99: {  	s4 =	simm.s32 $_scs_section_size  }
0x9a: {  	s5 =	simm.s32 $_size__tile_overlayer_lowered;
	s6 =	simm.s32 $_tile_overlayer_lowered  }
0x9b: {  	s7 =	simm.s32 $0x1BFF;
	s21 =	sshll.u32 s6, $0x1;
	s4 =	sadd.s32 s4, s20  }
0x9c: {  	s22 =	simm.s32 $0x0;
	s5 =	sshll.u32 s5, $0x1;
	s6 =	sadd.s32 s21, s4  }
0x9d: {  	[timem:s22], [sflag:s7] =	dma.local [hbm:s6], s5  }
0x9e: {  	_ =	swait.ge [sflag:s7], s5  }
0x9f: {  	s5 =	ssub.s32 $0x0, s5;
	[sflag:s7] =	ssyncset.done $0x0  }
0xa0: {  	[sflag:s7] =	ssyncadd.s32 s5;
	_ =	sdelay $0x1  }
0xa1: {  	s23 =	simm.s32 $0x1B8B  }
0xa2: {  	_ =	swait.ge [sflag:s23], $0x1  }
0xa3: {  	[sflag:s23] =	ssyncset.done $0x0  }
0xa4: {  	[sflag:s23] =	ssyncadd.s32 $0xFFFFFFFF  }
0xa5: {  	s5 =	sld [smem:$0x0]  }
0xa6: {  	s6 =	sand.u32 $0xFFFFFFFE, s1  }
0xa7: {  	p0 =	sne.s32 s1, s6  }
0xa8: {  	s6 =	sshll.u32 @p0 s6, $0xE  }
0xa9: {  	s6 =	sadd.s32 @p0 $0x11B8D, s6;
	s7 =	sshll.u32 @p0 s5, $0x11  }
0xaa: {  	s6 =	sor.u32 @p0 s7, s6  }
0xab: {  	[sflag:s6] =	ssyncadd.remote.s32 @p0 $0x1;
	_ =	sdelay $0x1  }
0xac: {  	s6 =	simm.s32 @p0 $0x1B8D  }
0xad: {  	_ =	swait.eq @p0 [sflag:s6], $0x1  }
0xae: {  	[sflag:s6] =	ssyncadd.s32 @p0 $0xFFFFFFFF  }
0xaf: {  	s7 =	sshll.u32 @!p0 s1, $0xE  }
0xb0: {  	s7 =	sor.u32 @!p0 $0x4000, s7;
	s6 =	simm.s32 @!p0 $0x1B8D  }
0xb1: {  	s5 =	sshll.u32 @!p0 s5, $0x11;
	s7 =	sadd.s32 @!p0 $0x11B8D, s7;
	_ =	swait.eq @!p0 [sflag:s6], $0x1  }
0xb2: {  	s5 =	sor.u32 @!p0 s5, s7;
	[sflag:s6] =	ssyncadd.s32 @!p0 $0xFFFFFFFF  }
0xb3: {  	s25 =	simm.s32 $0x1B8E;
	s24 =	sld [smem:$0x3FFE];
	[sflag:s5] =	ssyncadd.remote.s32 @!p0 $0x1  }
0xb4: {  	s26 =	simm.s32 $execute0_lowered;
	[smem:$0x3FD2] =	sst s25  }
0xb5: {  	s6 =	sshll.u32 s26, $0x1;
	_ =	strace $0x8000004F;
	[dreg:$0x1] =	wrdreg $0xFFFFFFFF  }
0xb6: {  	s28 =	simm.s32 $_size_execute0_lowered;
	s4 =	sadd.s32 s4, s6;
	[dreg:$0x0] =	wrdreg $0x0  }
0xb7: {  	s6 =	sshll.u32 s28, $0x1;
	[dreg:$0x2] =	wrdreg s4  }
0xb8: {  	[dreg:$0x3] =	wrdreg s6  }
0xb9: {  	[dreg:$0x4] =	wrdreg $0xC0  }
0xba: {  	_ =	task [dreg:s22], $0x5FFFF  }
0xbb: {  	[dreg:$0x1] =	wrdreg $0xFFFFFFFF  }
0xbc: {  	[dreg:$0x0] =	wrdreg $0x60  }
0xbd: {  	[dreg:$0x2] =	wrdreg s24  }
0xbe: {  	[dreg:$0x3] =	wrdreg s18  }
0xbf: {  	[dreg:$0x4] =	wrdreg $0x9  }
0xc0: {  	_ =	task.clear_ibuf [dreg:s22], $0x5FFFF;
	_ =	strace $0x9000004F  }
0xc1: {  	s29 =	simm.s32 $0x9;
	_ =	strace $0x80000051  }
0xc2: {  	_ =	swait.ge [sflag:s29], $0x1  }
0xc3: {  	[sflag:s29] =	ssyncadd.s32 $0xFFFFFFFF  }
0xc4: {  	_ =	strace $0x90000051  }
0xc5: {  	_ =	sfence  }
0xc6: {  	s30 =	sld [smem:$0x0];
	_ =	sdelay $0x2  }
0xc7: {  	s31 =	sshll.u32 s1, $0xD;
	s1 =	sshrl.u32 s1, $0x2  }
0xc8: {  	s4 =	sand.u32 $0x4000, s31;
	s1 =	sadd.s32 s1, s30  }
0xc9: {  	s0 =	sor.u32 s4, s0;
	s1 =	sshll.u32 s1, $0x11  }
0xca: {  	s0 =	sor.u32 s1, s0  }
0xcb: {  	s0 =	sadd.s32 $0x8F2B, s0  }
0xcc: {  	[sflag:s0] =	ssyncadd.remote.s32 $0x1  }
0xcd: {  	_ =	sfence.sel $0xFFFF  }
0xce: {  	[dreg:$0x0] =	wrdreg $0xFFFFFFFF;
	(pc) =	sbr.abs _section_cstart, $3  }
0xcf: {  	[dreg:$0x1] =	wrdreg $0xFFFFFFFF  }
0xd0: {  	_ =	task.clear_ibuf [dreg:s22], $0x2FFFF;
	_ =	strace $0x9FFFFFFF  }
0xd1: {  	(tm) =	ssettm $0x7FFFFFFF  }
tec
execute0_lowered:
.L_overlay_start_1:
0x0: {  	(tag) =	ssettag $0x1  }
0x1: {  	s1 =	srdreg.scid  }
0x2: {  	s5 =	rddreg [dreg:$0x0];
	s0 =	stileid.u32  }
0x3: {  	s4 =	rddreg [dreg:$0x1];
	s2 =	simm.s32 $0x0;
	s25 =	simm.s32 $0x80  }
0x4: {  	s26 =	simm.s32 $0x900;
	s10 =	simm.s32 $0x1900;
	s11 =	simm.s32 $0x2100  }
0x5: {  	s12 =	simm.s32 $0x2900;
	s13 =	simm.s32 $0x3100;
	s14 =	simm.s32 $0x3900  }
0x6: {  	s15 =	simm.s32 $0x4100;
	s16 =	simm.s32 $0x4900;
	s17 =	simm.s32 $0x5100  }
0x7: {  	s18 =	simm.s32 $0x5900;
	s19 =	simm.s32 $0x6100;
	s20 =	simm.s32 $0x6900  }
0x8: {  	s21 =	simm.s32 $0x7100;
	s22 =	simm.s32 $0x7900;
	s28 =	simm.s32 $0xA100  }
0x9: {  	s29 =	simm.s32 $0xA900;
	s30 =	simm.s32 $0xB100;
	s31 =	simm.s32 $0xB900  }
0xa: {  	s1 =	sand.u32 $0x1, s1;
	s3 =	sshll.u32 s0, $0x3;
	[smem:$0x7FF] =	sst s2  }
0xb: {  	s6 =	sshll.u32 s1, $0x2;
	_ =	strace $0x80000050;
	[dreg:$0x7] =	wrdreg s25  }
0xc: {  	s1 =	ssub.s32 $0x2, s1;
	[dreg:$0x8] =	wrdreg s26;
	s25 =	simm.s32 $0x9100  }
0xd: {  	s26 =	simm.s32 $0x9900;
	s3 =	sor.u32 s6, s3;
	s23 =	sshrl.u32 s1, $0x1  }
0xe: {  	s6 =	smul.u32 $0x300, s3;
	s7 =	sadd.s32 s3, s5;
	s3 =	sadd.s32 $0x7C600, s5  }
0xf: {  	s1 =	ssub.s32 s1, s23;
	s23 =	simm.s32 $0x8100;
	s9 =	sadd.s32 $0x7C200, s7  }
0x10: {  	s7 =	sadd.s32 $0x7C400, s7;
	s8 =	sadd.s32 s6, s5;
	[dreg:$0x3] =	wrdreg s9  }
0x11: {  	[dreg:$0x4] =	wrdreg s7;
	s4 =	sadd.s32 s4, s6;
	s6 =	smax.u32 s1, $0x1  }
0x12: {  	v2 =	vlaneseq.u32;
	s7 =	simm.s32 $0x2;
	s1 =	simm.s32 $0x1;
	[dreg:$0x5] =	wrdreg s4  }
0x13: {  	vm0 =	vmmov $0xffff;
	v1 =	vshrl.u32 v2, $0x3;
	s24 =	sadd.s32 $0xF4600, s8;
	s4 =	sadd.s32 $0x7C700, s5;
	s5 =	sadd.s32 $0x7C800, s5  }
0x14: {  	v0 =	vand.u32 $0x7, v2;
	v2 =	vor.u32 $0x8, v2;
	v1 =	vmul.u32 $0x8, v1;
	s8 =	simm.s32 $0x100;
	[dreg:$0x6] =	wrdreg s24;
	s24 =	simm.s32 $0x8900  }
.LBB2_1:
0x15: {  	s0 =	rddreg [dreg:$0x3]  }
0x16: {  	[tilespmem:s2], [sflag:$0x2] =	stream.linear.gather [hbm4b:s0+s2], $0x20, $0x38;
	[tilespmem:$0xC100] =	vst v63  }
0x17: {  	_ =	swait.ge [sflag:s7], $0x20  }
0x18: {  	s0 =	rddreg [dreg:$0x4];
	[sflag:s7] =	ssyncset.done $0x0  }
0x19: {  	s9 =	rddreg [dreg:$0x7];
	[sflag:s7] =	ssyncadd.s32 $0xFFFFFFE0  }
0x1a: {  	[tilespmem:s9], [sflag:$0x2] =	stream.linear.gather [hbm4b:s0+s2], $0x20, $0x38;
	[tilespmem:$0xC100] =	vst v63  }
0x1b: {  	_ =	swait.ge [sflag:s7], $0x20  }
0x1c: {  	[sflag:s7] =	ssyncset.done $0x0  }
0x1d: {  	[sflag:s7] =	ssyncadd.s32 $0xFFFFFFE0  }
0x1e: {  	v3 =	vld [tilespmem:$0x0];
	_ =	sdelay $0x4  }
0x1f: {  	v4 =	vshrl.u32 v3, $0x3  }
0x20: {  	v4 =	vmul.u32 $0x30, v4  }
0x21: {  	v3 =	vand.u32 $0x7, v3  }
0x22: {  	v3 =	vor.u32 v3, v4  }
0x23: {  	v4 =	vperm.xlane v3, v0;
	_ =	sdelay $0x1  }
0x24: {  	v4 =	vadd.s32 v1, v4;
	_ =	sdelay $0x3  }
0x25: {  	v3 =	vperm.xlane v3, v2  }
0x26: {  	[tilespmem:s8], [sflag:$0x1] =	stream.indirect_vreg.gather [hbm4b:s3+s2], $0x80, v4, vm0, $0xb8;
	[tilespmem:$0xC100] =	vst v63  }
0x27: {  	s9 =	rddreg [dreg:$0x8];
	v3 =	vadd.s32 v1, v3  }
0x28: {  	[tilespmem:s9], [sflag:$0x1] =	stream.indirect_vreg.gather [hbm4b:s4+s2], $0x80, v4, vm0, $0xb8;
	[tilespmem:$0xC100] =	vst v63  }
0x29: {  	s9 =	simm.s32 $0x1100  }
0x2a: {  	[tilespmem:s9], [sflag:$0x1] =	stream.indirect_vreg.gather [hbm4b:s5+s2], $0x80, v4, vm0, $0xb8;
	[tilespmem:$0xC100] =	vst v63  }
0x2b: {  	_ = 	snop  }
0x2c: {  	[tilespmem:s10], [sflag:$0x1] =	stream.indirect_vreg.gather [hbm4b:s3+s2], $0x80, v3, vm0, $0xb8;
	[tilespmem:$0xC100] =	vst v63  }
0x2d: {  	_ = 	snop  }
0x2e: {  	[tilespmem:s11], [sflag:$0x1] =	stream.indirect_vreg.gather [hbm4b:s4+s2], $0x80, v3, vm0, $0xb8;
	[tilespmem:$0xC100] =	vst v63  }
0x2f: {  	_ = 	snop  }
0x30: {  	[tilespmem:s12], [sflag:$0x1] =	stream.indirect_vreg.gather [hbm4b:s5+s2], $0x80, v3, vm0, $0xb8;
	[tilespmem:$0xC100] =	vst v63  }
0x31: {  	v3 =	vld [tilespmem:$0x10];
	_ =	sdelay $0x4  }
0x32: {  	v61 =	vshrl.u32 v3, $0x3  }
0x33: {  	v4 =	vmul.u32 $0x30, v61  }
0x34: {  	v3 =	vand.u32 $0x7, v3  }
0x35: {  	v3 =	vor.u32 v3, v4  }
0x36: {  	v4 =	vperm.xlane v3, v0;
	_ =	sdelay $0x1  }
0x37: {  	v4 =	vadd.s32 v1, v4;
	_ =	sdelay $0x3  }
0x38: {  	v3 =	vperm.xlane v3, v2  }
0x39: {  	[tilespmem:s13], [sflag:$0x1] =	stream.indirect_vreg.gather [hbm4b:s3+s2], $0x80, v4, vm0, $0xb8;
	[tilespmem:$0xC100] =	vst v63  }
0x3a: {  	v3 =	vadd.s32 v1, v3  }
0x3b: {  	[tilespmem:s14], [sflag:$0x1] =	stream.indirect_vreg.gather [hbm4b:s4+s2], $0x80, v4, vm0, $0xb8;
	[tilespmem:$0xC100] =	vst v63  }
0x3c: {  	_ = 	snop  }
0x3d: {  	[tilespmem:s15], [sflag:$0x1] =	stream.indirect_vreg.gather [hbm4b:s5+s2], $0x80, v4, vm0, $0xb8;
	[tilespmem:$0xC100] =	vst v63  }
0x3e: {  	_ = 	snop  }
0x3f: {  	[tilespmem:s16], [sflag:$0x1] =	stream.indirect_vreg.gather [hbm4b:s3+s2], $0x80, v3, vm0, $0xb8;
	[tilespmem:$0xC100] =	vst v63  }
0x40: {  	_ = 	snop  }
0x41: {  	[tilespmem:s17], [sflag:$0x1] =	stream.indirect_vreg.gather [hbm4b:s4+s2], $0x80, v3, vm0, $0xb8;
	[tilespmem:$0xC100] =	vst v63  }
0x42: {  	_ = 	snop  }
0x43: {  	[tilespmem:s18], [sflag:$0x1] =	stream.indirect_vreg.gather [hbm4b:s5+s2], $0x80, v3, vm0, $0xb8;
	[tilespmem:$0xC100] =	vst v63  }
0x44: {  	v3 =	vld [tilespmem:$0x80];
	_ =	sdelay $0x4  }
0x45: {  	v62 =	vshrl.u32 v3, $0x3  }
0x46: {  	v4 =	vmul.u32 $0x30, v62  }
0x47: {  	v3 =	vand.u32 $0x7, v3  }
0x48: {  	v3 =	vor.u32 v3, v4  }
0x49: {  	v4 =	vperm.xlane v3, v0;
	_ =	sdelay $0x1  }
0x4a: {  	v4 =	vadd.s32 v1, v4;
	_ =	sdelay $0x3  }
0x4b: {  	v3 =	vperm.xlane v3, v2  }
0x4c: {  	[tilespmem:s19], [sflag:$0x1] =	stream.indirect_vreg.gather [hbm4b:s3+s2], $0x80, v4, vm0, $0xb8;
	[tilespmem:$0xC100] =	vst v63  }
0x4d: {  	v3 =	vadd.s32 v1, v3  }
0x4e: {  	[tilespmem:s20], [sflag:$0x1] =	stream.indirect_vreg.gather [hbm4b:s4+s2], $0x80, v4, vm0, $0xb8;
	[tilespmem:$0xC100] =	vst v63  }
0x4f: {  	_ = 	snop  }
0x50: {  	[tilespmem:s21], [sflag:$0x1] =	stream.indirect_vreg.gather [hbm4b:s5+s2], $0x80, v4, vm0, $0xb8;
	[tilespmem:$0xC100] =	vst v63  }
0x51: {  	_ = 	snop  }
0x52: {  	[tilespmem:s22], [sflag:$0x1] =	stream.indirect_vreg.gather [hbm4b:s3+s2], $0x80, v3, vm0, $0xb8;
	[tilespmem:$0xC100] =	vst v63  }
0x53: {  	_ = 	snop  }
0x54: {  	[tilespmem:s23], [sflag:$0x1] =	stream.indirect_vreg.gather [hbm4b:s4+s2], $0x80, v3, vm0, $0xb8;
	[tilespmem:$0xC100] =	vst v63  }
0x55: {  	_ = 	snop  }
0x56: {  	[tilespmem:s24], [sflag:$0x1] =	stream.indirect_vreg.gather [hbm4b:s5+s2], $0x80, v3, vm0, $0xb8;
	[tilespmem:$0xC100] =	vst v63  }
0x57: {  	v3 =	vld [tilespmem:$0x90];
	_ =	sdelay $0x4  }
0x58: {  	v63 =	vshrl.u32 v3, $0x3  }
0x59: {  	v4 =	vmul.u32 $0x30, v63  }
0x5a: {  	v3 =	vand.u32 $0x7, v3  }
0x5b: {  	v3 =	vor.u32 v3, v4  }
0x5c: {  	v4 =	vperm.xlane v3, v0;
	_ =	sdelay $0x1  }
0x5d: {  	v4 =	vadd.s32 v1, v4;
	_ =	sdelay $0x3  }
0x5e: {  	v3 =	vperm.xlane v3, v2  }
0x5f: {  	[tilespmem:s25], [sflag:$0x1] =	stream.indirect_vreg.gather [hbm4b:s3+s2], $0x80, v4, vm0, $0xb8;
	[tilespmem:$0xC100] =	vst v63  }
0x60: {  	v3 =	vadd.s32 v1, v3  }
0x61: {  	[tilespmem:s26], [sflag:$0x1] =	stream.indirect_vreg.gather [hbm4b:s4+s2], $0x80, v4, vm0, $0xb8;
	[tilespmem:$0xC100] =	vst v63  }
0x62: {  	_ = 	snop  }
0x63: {  	[tilespmem:s28], [sflag:$0x1] =	stream.indirect_vreg.gather [hbm4b:s5+s2], $0x80, v4, vm0, $0xb8;
	[tilespmem:$0xC100] =	vst v63  }
0x64: {  	_ = 	snop  }
0x65: {  	[tilespmem:s29], [sflag:$0x1] =	stream.indirect_vreg.gather [hbm4b:s3+s2], $0x80, v3, vm0, $0xb8;
	[tilespmem:$0xC100] =	vst v63  }
0x66: {  	_ = 	snop  }
0x67: {  	[tilespmem:s30], [sflag:$0x1] =	stream.indirect_vreg.gather [hbm4b:s4+s2], $0x80, v3, vm0, $0xb8;
	[tilespmem:$0xC100] =	vst v63  }
0x68: {  	_ = 	snop  }
0x69: {  	[tilespmem:s31], [sflag:$0x1] =	stream.indirect_vreg.gather [hbm4b:s5+s2], $0x80, v3, vm0, $0xb8;
	[tilespmem:$0xC100] =	vst v63  }
0x6a: {  	_ =	swait.ge [sflag:s1], $0x6000  }
0x6b: {  	[sflag:s1] =	ssyncset.done $0x0  }
0x6c: {  	s9 =	rddreg [dreg:$0x5];
	[sflag:s1] =	ssyncadd.s32 $0xFFFFA000  }
0x6d: {  	[hbm4b:s9+s2] =	stream.linear.scatter [tilespmem:s8], [sflag:$0x2], $0x6000, $0x38;
	[tilespmem:$0xC100] =	vst v63  }
0x6e: {  	_ =	swait.ge [sflag:s7], $0x6000  }
0x6f: {  	[sflag:s7] =	ssyncset.done $0x0  }
0x70: {  	[sflag:s7] =	ssyncadd.s32 $0xFFFFA000  }
0x71: {  	_ =	swait.ge [sflag:s1], $0x6000  }
0x72: {  	p0 =	sne.s32 s6, $0x1;
	[sflag:s1] =	ssyncset.done $0x0  }
.Ltmp0:
0x73: {  	s9 =	rddreg [dreg:$0x6];
	[sflag:s1] =	ssyncadd.s32 $0xFFFFA000;
	(pc) =	sbr.rel @p0 .LBB2_1-.Ltmp0, $4  }
0x74: {  	[hbm4b:s9+s2] =	stream.linear.scatter [tilespmem:s19], [sflag:$0x2], $0x6000, $0x38;
	[tilespmem:$0xC100] =	vst v63  }
0x75: {  	_ =	swait.ge [sflag:s7], $0x6000  }
0x76: {  	[sflag:s7] =	ssyncset.done $0x0  }
0x77: {  	s6 =	sadd.s32 $0xFFFFFFFF, s6;
	[sflag:s7] =	ssyncadd.s32 $0xFFFFA000  }
0x78: {  	_ =	sfence.sel $0x180000  }
0x79: {  	[bflag:$0x0] =	sbarrier.arrive $0xFFFF  }
0x7a: {  	_ =	strace $0x90000050  }
0x7b: {  	s0 =	stileid.u32;
	[bflag:$0x2] =	sbarrier.arrive $0xFFFF  }
0x7c: {  	p0 =	sne.s32 s0, $0x0;
	s0 =	rddreg [dreg:$0x2]  }
0x7d: {  	s0 =	sadd.s32 @!p0 $0x100000, s0  }
0x7e: {  	[sflag:s0] =	ssyncadd.tile.s32 @!p0 $0x1;
	_ =	shalt  }
.Lfunc_end2:
_tile_overlayer_lowered:
.L_overlay_start_2:
0x7f: {  	(tag) =	ssettag $0x2  }
0x80: {  	s0 =	rddreg [dreg:$0x0];
	s2 =	stileid.u32  }
0x81: {  	s1 =	rddreg [dreg:$0x1];
	p0 =	sne.s32 s2, $0x0  }
0x82: {  	s3 =	rddreg [dreg:$0x2];
	[bflag:$0x3] =	sbarrier.arrive $0xFFFF;
	s2 =	simm.s32 @!p0 $0x1C02  }
0x83: {  	[timem:s3], [sflag:s2] =	dma.local @!p0 [hbm:s0], s1  }
0x84: {  	s0 =	simm.s32 @!p0 $0x2  }
0x85: {  	_ =	swait.ge @!p0 [sflag:s0], s1  }
0x86: {  	s1 =	ssub.s32 @!p0 $0x0, s1;
	[sflag:s0] =	ssyncset.done @!p0 $0x0  }
0x87: {  	[sflag:s0] =	ssyncadd.s32 @!p0 s1  }
0x88: {  	[bflag:$0x3] =	sbarrier.arrive $0xFFFF  }
0x89: {  	_ =	shalt  }

</sc_bundles>
